<compile_context>
chip_gen: v7x
topology: tpu7x:2x2x1
jax: 0.10.2.dev20260603
libtpu: 0.0.44.dev20260713+nightly
codegen_flags: <defaults>
</compile_context>

<pallas_src>
import jax
import jax.numpy as jnp
from jax import lax
from jax.experimental import pallas as pl
from jax.experimental.pallas import tpu as pltpu
from jax.experimental.pallas import tpu_sc as plsc

NC = 2
NS = 16
NW = NC * NS
F32 = jnp.float32


def _ceil_to(v, m):
    return -(-v // m) * m


def kernel(tokens, edge_index, emb_table, W, b):
    N = tokens.shape[0]
    E = edge_index.shape[1]
    V, D = emb_table.shape

    TCH = 80
    NPAD = _ceil_to(N, NW * TCH)
    TPT = NPAD // NW
    TKC = TPT // TCH

    ECH = 128
    EPAD = _ceil_to(E, 2 * NW * ECH)
    EPT = EPAD // NW
    EKC = EPT // ECH

    RPS = NPAD // NS

    tokens_p = jnp.concatenate(
        [tokens.astype(jnp.int32), jnp.zeros((NPAD - N,), jnp.int32)])
    src_r = jnp.concatenate(
        [edge_index[0].astype(jnp.int32), jnp.zeros((EPAD - E,), jnp.int32)]
    ).reshape(NW, EKC, ECH)
    dst_r = jnp.concatenate(
        [edge_index[1].astype(jnp.int32), jnp.full((EPAD - E,), N, jnp.int32)]
    ).reshape(NW, EKC, ECH)

    mesh = plsc.VectorSubcoreMesh(
        core_axis_name="c", subcore_axis_name="s",
        num_cores=NC, num_subcores=NS)

    def sc_gather_deg(tokens_hbm, dstr_hbm, emb_hbm, x_out, deg_out,
                      tok_all, dst_all, rows0, rows1, ones, zbuf, deg_sh,
                      sem_g0, sem_g1, sem_h):
        c = lax.axis_index("c")
        s = lax.axis_index("s")
        wid = s * NC + c

        def fz(i, _):
            zbuf[pl.ds(i * 16, 16)] = jnp.zeros((16,), F32)
            return 0
        lax.fori_loop(0, RPS // 16, fz, 0)

        def fo(i, _):
            ones[pl.ds(i * 16, 16)] = jnp.ones((16,), F32)
            return 0
        lax.fori_loop(0, ECH // 16, fo, 0)

        pltpu.sync_copy(zbuf, deg_sh.at[pl.ds(s * RPS, RPS)])

        pltpu.sync_copy(tokens_hbm.at[pl.ds(wid * TPT, TPT)], tok_all)
        pltpu.sync_copy(dstr_hbm.at[wid], dst_all)
        plsc.subcore_barrier()

        def hchunk(k, _):
            pltpu.async_copy(ones, deg_sh.at[dst_all.at[k]], sem_h, add=True)
            return 0
        lax.fori_loop(0, EKC, hchunk, 0)

        bufs = (rows0, rows1)
        sems = (sem_g0, sem_g1)
        pltpu.async_copy(emb_hbm.at[tok_all.at[pl.ds(0, TCH)]], rows0, sem_g0)
        pltpu.async_copy(emb_hbm.at[tok_all.at[pl.ds(TCH, TCH)]], rows1,
                         sem_g1)
        for k in range(TKC):
            buf, sem = bufs[k % 2], sems[k % 2]
            pltpu.make_async_copy(emb_hbm.at[pl.ds(0, TCH)], buf, sem).wait()
            pltpu.sync_copy(buf, x_out.at[pl.ds(wid * TPT + k * TCH, TCH)])
            if k + 2 < TKC:
                idx = tok_all.at[pl.ds((k + 2) * TCH, TCH)]
                pltpu.async_copy(emb_hbm.at[idx], buf, sem)

        pltpu.make_async_copy(dstr_hbm.at[wid], dst_all, sem_h).wait()
        plsc.subcore_barrier()
        pltpu.sync_copy(deg_sh.at[pl.ds(s * RPS, RPS)],
                        deg_out.at[c, pl.ds(s * RPS, RPS)])

    sc_a = pl.kernel(
        sc_gather_deg,
        out_type=(jax.ShapeDtypeStruct((NPAD, D), F32),
                  jax.ShapeDtypeStruct((NC, NPAD), F32)),
        mesh=mesh,
        scratch_types=[
            pltpu.VMEM((TPT,), jnp.int32),
            pltpu.VMEM((EKC, ECH), jnp.int32),
            pltpu.VMEM((TCH, D), F32),
            pltpu.VMEM((TCH, D), F32),
            pltpu.VMEM((ECH,), F32),
            pltpu.VMEM((RPS,), F32),
            pltpu.VMEM_SHARED((NPAD,), F32),
            pltpu.SemaphoreType.DMA,
            pltpu.SemaphoreType.DMA,
            pltpu.SemaphoreType.DMA,
        ],
    )
    x_pad, deg_parts = sc_a(tokens_p, dst_r, emb_table)
    deg_t = jnp.transpose(deg_parts)

    BLK = 1024
    G = NPAD // BLK

    def tc_matmul_scale(x_ref, w_ref, dp_ref, y_ref):
        dp = dp_ref[...]
        dinv = lax.rsqrt(dp[:, 0:1] + dp[:, 1:2] + 1.0)
        xw = jnp.dot(x_ref[...], w_ref[...], preferred_element_type=F32)
        y_ref[...] = xw * dinv

    y_pad = pl.pallas_call(
        tc_matmul_scale,
        grid=(G,),
        in_specs=[pl.BlockSpec((BLK, D), lambda g: (g, 0)),
                  pl.BlockSpec((D, D), lambda g: (0, 0)),
                  pl.BlockSpec((BLK, NC), lambda g: (g, 0))],
        out_specs=pl.BlockSpec((BLK, D), lambda g: (g, 0)),
        out_shape=jax.ShapeDtypeStruct((NPAD, D), F32),
    )(x_pad, W, deg_t)

    def sc_edge_agg(y_hbm, srcr_hbm, dst_hbm, acc_out,
                    src_all, didx0, didx1, rows0, rows1, zrow, acc_sh,
                    sem_g0, sem_g1, sem_d0, sem_d1):
        c = lax.axis_index("c")
        s = lax.axis_index("s")
        wid = s * NC + c

        def fz(i, _):
            zrow[i // 8, pl.ds((i % 8) * 16, 16)] = jnp.zeros((16,), F32)
            return 0
        lax.fori_loop(0, 32 * (D // 16), fz, 0)

        def zc(i, _):
            pltpu.async_copy(zrow, acc_sh.at[pl.ds(s * RPS + i * 32, 32)],
                             sem_d0)
            return 0
        lax.fori_loop(0, RPS // 32, zc, 0)

        pltpu.sync_copy(srcr_hbm.at[wid], src_all)

        def zw(i, _):
            pltpu.make_async_copy(
                zrow, acc_sh.at[pl.ds(s * RPS + i * 32, 32)], sem_d0).wait()
            return 0
        lax.fori_loop(0, RPS // 32, zw, 0)
        plsc.subcore_barrier()

        SPL = 4
        SC_ = ECH // SPL

        def stage(k, didx, sem_d, buf, sem_g):
            base = wid * EPT + k * ECH
            pltpu.async_copy(dst_hbm.at[pl.ds(base, ECH)], didx, sem_d)
            for p in range(SPL):
                pltpu.async_copy(
                    y_hbm.at[src_all.at[k, pl.ds(p * SC_, SC_)]],
                    buf.at[pl.ds(p * SC_, SC_)], sem_g)

        stage(0, didx0, sem_d0, rows0, sem_g0)
        stage(1, didx1, sem_d1, rows1, sem_g1)

        def slot(k, didx, sem_d, buf, sem_g):
            pltpu.make_async_copy(y_hbm.at[pl.ds(0, ECH)], buf, sem_g).wait()
            pltpu.make_async_copy(dst_hbm.at[pl.ds(0, ECH)], didx,
                                  sem_d).wait()
            pltpu.sync_copy(buf, acc_sh.at[didx], add=True)

            @pl.when(k + 2 < EKC)
            def _():
                stage(k + 2, didx, sem_d, buf, sem_g)

        def echunk(i, _):
            slot(2 * i, didx0, sem_d0, rows0, sem_g0)
            slot(2 * i + 1, didx1, sem_d1, rows1, sem_g1)
            return 0
        lax.fori_loop(0, EKC // 2, echunk, 0)

        plsc.subcore_barrier()

        def oc(i, _):
            r0 = s * RPS + i * 128
            pltpu.async_copy(acc_sh.at[pl.ds(r0, 128)],
                             acc_out.at[c, pl.ds(r0, 128)], sem_d0)
            return 0
        lax.fori_loop(0, RPS // 128, oc, 0)

        def ow(i, _):
            r0 = s * RPS + i * 128
            pltpu.make_async_copy(acc_sh.at[pl.ds(r0, 128)],
                                  acc_out.at[c, pl.ds(r0, 128)],
                                  sem_d0).wait()
            return 0
        lax.fori_loop(0, RPS // 128, ow, 0)

    sc_c = pl.kernel(
        sc_edge_agg,
        out_type=jax.ShapeDtypeStruct((NC, NPAD, D), F32),
        mesh=mesh,
        scratch_types=[
            pltpu.VMEM((EKC, ECH), jnp.int32),
            pltpu.VMEM((ECH,), jnp.int32),
            pltpu.VMEM((ECH,), jnp.int32),
            pltpu.VMEM((ECH, D), F32),
            pltpu.VMEM((ECH, D), F32),
            pltpu.VMEM((32, D), F32),
            pltpu.VMEM_SHARED((NPAD, D), F32),
            pltpu.SemaphoreType.DMA,
            pltpu.SemaphoreType.DMA,
            pltpu.SemaphoreType.DMA,
            pltpu.SemaphoreType.DMA,
        ],
    )
    acc_parts = sc_c(y_pad, src_r, dst_r.reshape(EPAD))

    OBLK = 1000
    OG = N // OBLK

    def tc_combine(a0_ref, a1_ref, y_ref, dp_ref, b_ref, o_ref):
        dp = dp_ref[...]
        dinv = lax.rsqrt(dp[:, 0:1] + dp[:, 1:2] + 1.0)
        acc = a0_ref[...] + a1_ref[...] + y_ref[...]
        o_ref[...] = jnp.maximum(acc * dinv + b_ref[...], 0.0)

    out = pl.pallas_call(
        tc_combine,
        grid=(OG,),
        in_specs=[pl.BlockSpec((OBLK, D), lambda g: (g, 0)),
                  pl.BlockSpec((OBLK, D), lambda g: (g, 0)),
                  pl.BlockSpec((OBLK, D), lambda g: (g, 0)),
                  pl.BlockSpec((OBLK, NC), lambda g: (g, 0)),
                  pl.BlockSpec((1, D), lambda g: (0, 0))],
        out_specs=pl.BlockSpec((OBLK, D), lambda g: (g, 0)),
        out_shape=jax.ShapeDtypeStruct((N, D), F32),
    )(acc_parts[0], acc_parts[1], y_pad, deg_t, b.reshape(1, D))

    return out

# --- scband reference (transcript-rebuilt; emitter-appended) ---
"""Pipeline reference for scband-invariant-gcn-62672162783236 (READ-ONLY COPY).

The authoritative reference and input builder live on the scoring server;
editing this copy changes nothing except your own understanding.
"""

import jax, jax.numpy as jnp
import numpy as np

N = 10000          # n_nodes
E = 320000         # n_edges = N * avg_degree(32)
D = 128            # token_embedding_dim
V = 30000          # num_token_embeddings


def setup_inputs(seed: int = 0) -> dict:
    key = jax.random.key(seed)
    k1, k2, k3, k4 = jax.random.split(key, 4)
    tokens = jax.random.randint(k1, (N,), 0, V)
    edge_index = jax.random.randint(k2, (2, E), 0, N)
    # learned parameters
    emb_table = jax.random.normal(k3, (V, D), dtype=jnp.float32) * 0.02
    emb_table = emb_table.at[0].set(0.0)  # padding_idx = 0
    W = jax.random.normal(k4, (D, D), dtype=jnp.float32) * (1.0 / np.sqrt(D))
    b = jnp.zeros((D,), dtype=jnp.float32)
    return {"tokens": tokens, "edge_index": edge_index, "emb_table": emb_table, "W": W, "b": b}


def reference(tokens, edge_index, emb_table, W, b):
    # token embedding lookup (gather)  ->  x = self.token_embedding(graph['x'])
    x = jnp.take(emb_table, tokens, axis=0)
    # GCNConv(in=D, out=D) with self-loops and symmetric normalization
    xw = x @ W
    loop = jnp.arange(N, dtype=edge_index.dtype)
    src = jnp.concatenate([edge_index[0], loop])
    dst = jnp.concatenate([edge_index[1], loop])
    deg = jax.ops.segment_sum(jnp.ones_like(src, dtype=xw.dtype), dst, num_segments=N)
    dinv = jax.lax.rsqrt(jnp.maximum(deg, 1.0))
    norm = dinv[src] * dinv[dst]
    msg = jnp.take(xw, src, axis=0) * norm[:, None]
    agg = jax.ops.segment_sum(msg, dst, num_segments=N)
    out = agg + b
    # F.relu(self.contract_conv(x, edge_index))
    return jax.nn.relu(out)

if __name__ == "__main__":
    import jax
    _d = setup_inputs()
    print(jax.jit(kernel)(*tuple(_d.values())))

</pallas_src>

<mosaic_0001>
#map = affine_map<(d0, d1) -> (0, 0)>
#map1 = affine_map<(d0, d1) -> (0, 0, 0)>
#map2 = affine_map<(d0, d1) -> (0)>
module attributes {stable_mosaic.version = 14 : i64} {
  func.func @sc_edge_agg(%arg0: i32, %arg1: i32, %arg2: memref<10240x128xf32, #tpu.memory_space<hbm>>, %arg3: memref<32x80x128xi32, #tpu.memory_space<hbm>>, %arg4: memref<327680xi32, #tpu.memory_space<hbm>>, %arg5: memref<2x10240x128xf32, #tpu.memory_space<hbm>>, %arg6: memref<80x128xi32, #tpu.memory_space<vmem>>, %arg7: memref<128xi32, #tpu.memory_space<vmem>>, %arg8: memref<128xi32, #tpu.memory_space<vmem>>, %arg9: memref<128x128xf32, #tpu.memory_space<vmem>>, %arg10: memref<128x128xf32, #tpu.memory_space<vmem>>, %arg11: memref<32x128xf32, #tpu.memory_space<vmem>>, %arg12: memref<10240x128xf32, #tpu.memory_space<vmem_shared>>, %arg13: memref<!tpu.dma_semaphore, #tpu.memory_space<semaphore_mem>>, %arg14: memref<!tpu.dma_semaphore, #tpu.memory_space<semaphore_mem>>, %arg15: memref<!tpu.dma_semaphore, #tpu.memory_space<semaphore_mem>>, %arg16: memref<!tpu.dma_semaphore, #tpu.memory_space<semaphore_mem>>) attributes {dimension_semantics = [#tpu.dimension_semantics<core_parallel>, #tpu.dimension_semantics<subcore_parallel>], iteration_bounds = array<i64: 2, 16>, scalar_prefetch = 0 : i64, scratch_operands = 11 : i64, tpu.core_type = #tpu.core_type<sc_vector_subcore>, window_params = [{transform_indices = #map}, {transform_indices = #map1}, {transform_indices = #map2}, {transform_indices = #map1}]} {
    %mul3A = arith.constant 2 : i32
    %mul3A_0 = arith.muli %arg1, %mul3A : i32
    %add3A = arith.addi %mul3A_0, %arg0 : i32
    %scan3A = arith.constant 0 : i32
    %scan3A_1 = arith.constant 0 : i32
    %scan3A_2 = arith.constant 256 : i32
    %scan3A_3 = arith.addi %scan3A_1, %scan3A_2 : i32
    %scan3A_4 = arith.constant 1 : i32
    %scan3A_5 = scf.for %scan3A_134 = %scan3A_1 to %scan3A_3 step %scan3A_4 iter_args(%scan3A_135 = %scan3A) -> (i32)  : i32 {
      %broadcast_in_dim3A = arith.constant 0.000000e+00 : f32
      %broadcast_in_dim3A_136 = vector.broadcast %broadcast_in_dim3A : f32 to vector<16xf32>
      %jit3A = arith.constant 8 : i32
      %div3A = arith.divsi %scan3A_134, %jit3A : i32
      %sign3A = arith.constant 0 : i32
      %sign3A_137 = arith.cmpi sgt, %scan3A_134, %sign3A : i32
      %sign3A_138 = arith.extui %sign3A_137 : i1 to i32
      %sign3A_139 = arith.constant 0 : i32
      %sign3A_140 = arith.cmpi slt, %scan3A_134, %sign3A_139 : i32
      %sign3A_141 = arith.extui %sign3A_140 : i1 to i32
      %sign3A_142 = arith.subi %sign3A_138, %sign3A_141 : i32
      %sign3A_143 = arith.constant 0 : i32
      %sign3A_144 = arith.cmpi sgt, %jit3A, %sign3A_143 : i32
      %sign3A_145 = arith.extui %sign3A_144 : i1 to i32
      %sign3A_146 = arith.constant 0 : i32
      %sign3A_147 = arith.cmpi slt, %jit3A, %sign3A_146 : i32
      %sign3A_148 = arith.extui %sign3A_147 : i1 to i32
      %sign3A_149 = arith.subi %sign3A_145, %sign3A_148 : i32
      %ne3A = arith.cmpi ne, %sign3A_142, %sign3A_149 : i32
      %rem3A = arith.remsi %scan3A_134, %jit3A : i32
      %ne3A_150 = arith.constant 0 : i32
      %ne3A_151 = arith.cmpi ne, %rem3A, %ne3A_150 : i32
      %and3A = arith.andi %ne3A, %ne3A_151 : i1
      %sub3A = arith.constant 1 : i32
      %sub3A_152 = arith.subi %div3A, %sub3A : i32
      %select_n3A = arith.select %and3A, %sub3A_152, %div3A : i32
      %jit3A_153 = arith.constant 8 : i32
      %eq3A = arith.constant 0 : i32
      %eq3A_154 = arith.cmpi eq, %jit3A_153, %eq3A : i32
      %jit3A_155 = arith.constant 1 : i32
      %select_n3A_156 = arith.select %eq3A_154, %jit3A_155, %jit3A_153 : i32
      %rem3A_157 = arith.remsi %scan3A_134, %select_n3A_156 : i32
      %ne3A_158 = arith.constant 0 : i32
      %ne3A_159 = arith.cmpi ne, %rem3A_157, %ne3A_158 : i32
      %lt3A = arith.constant 0 : i32
      %lt3A_160 = arith.cmpi slt, %rem3A_157, %lt3A : i32
      %lt3A_161 = arith.constant 0 : i32
      %lt3A_162 = arith.cmpi slt, %select_n3A_156, %lt3A_161 : i32
      %ne3A_163 = arith.xori %lt3A_160, %lt3A_162 : i1
      %and3A_164 = arith.andi %ne3A_163, %ne3A_159 : i1
      %add3A_165 = arith.addi %rem3A_157, %select_n3A_156 : i32
      %select_n3A_166 = arith.select %and3A_164, %add3A_165, %rem3A_157 : i32
      %mul3A_167 = arith.constant 16 : i32
      %mul3A_168 = arith.muli %select_n3A_166, %mul3A_167 : i32
      %swap3A = arith.index_cast %select_n3A : i32 to index
      %swap3A_169 = arith.index_cast %mul3A_168 : i32 to index
      %swap3A_170 = tpu.vector_load %arg11[%swap3A, %swap3A_169] {strides = array<i32>} : memref<32x128xf32, #tpu.memory_space<vmem>>, vector<1x16xf32>,
      %swap3A_171 = vector.shape_cast %swap3A_170 : vector<1x16xf32> to vector<16xf32>
      %swap3A_172 = vector.shape_cast %broadcast_in_dim3A_136 : vector<16xf32> to vector<1x16xf32>
      tpu.vector_store %arg11[%swap3A, %swap3A_169], %swap3A_172 {strides = array<i32>} : memref<32x128xf32, #tpu.memory_space<vmem>>, vector<1x16xf32>,
      %scan3A_173 = arith.constant 0 : i32
      scf.yield %scan3A_173 : i32
    }
    %scan3A_6 = arith.constant 256 : i32
    %scan3A_7 = arith.constant 0 : i32
    %scan3A_8 = arith.constant 0 : i32
    %scan3A_9 = arith.constant 20 : i32
    %scan3A_10 = arith.addi %scan3A_8, %scan3A_9 : i32
    %scan3A_11 = arith.constant 1 : i32
    %scan3A_12 = scf.for %scan3A_134 = %scan3A_8 to %scan3A_10 step %scan3A_11 iter_args(%scan3A_135 = %scan3A_7) -> (i32)  : i32 {
      %mul3A_136 = arith.constant 640 : i32
      %mul3A_137 = arith.muli %arg1, %mul3A_136 : i32
      %mul3A_138 = arith.constant 32 : i32
      %mul3A_139 = arith.muli %scan3A_134, %mul3A_138 : i32
      %add3A_140 = arith.addi %mul3A_137, %mul3A_139 : i32
      %dma_start3A_141 = arith.constant 0 : i32
      %dma_start3A_142 = tpu.memref_slice %arg12[%add3A_140, %dma_start3A_141] : memref<10240x128xf32, #tpu.memory_space<vmem_shared>> -> memref<32x128xf32, #tpu.memory_space<vmem_shared>>
      %dma_start3A_143 = arith.constant 0 : i32
      %dma_start3A_144 = tpu.memref_slice %arg12[%add3A_140, %dma_start3A_143] : memref<10240x128xf32, #tpu.memory_space<vmem_shared>> -> memref<32x128xf32, #tpu.memory_space<vmem_shared>>
      tpu.enqueue_dma source(%arg11 : memref<32x128xf32, #tpu.memory_space<vmem>>) target(%dma_start3A_144 : memref<32x128xf32, #tpu.memory_space<vmem_shared>>) target_semaphore(%arg15 : memref<!tpu.dma_semaphore, #tpu.memory_space<semaphore_mem>>)
      %scan3A_145 = arith.constant 0 : i32
      scf.yield %scan3A_145 : i32
    }
    %scan3A_13 = arith.constant 20 : i32
    "tpu.region"() ({
      %run_scoped3A = tpu.sem_alloc : memref<!tpu.dma_semaphore, #tpu.memory_space<semaphore_mem>>
      %dma_start3A_134 = arith.constant 0 : i32
      %dma_start3A_135 = arith.constant 0 : i32
      %dma_start3A_136 = tpu.memref_slice %arg3[%add3A, %dma_start3A_134, %dma_start3A_135] : memref<32x80x128xi32, #tpu.memory_space<hbm>> -> memref<1x80x128xi32, #tpu.memory_space<hbm>>
      %dma_start3A_137 = tpu.memref_squeeze %dma_start3A_136 : memref<1x80x128xi32, #tpu.memory_space<hbm>> -> memref<80x128xi32, #tpu.memory_space<hbm>>
      %dma_start3A_138 = arith.constant 0 : i32
      %dma_start3A_139 = arith.constant 0 : i32
      %dma_start3A_140 = tpu.memref_slice %arg3[%add3A, %dma_start3A_138, %dma_start3A_139] : memref<32x80x128xi32, #tpu.memory_space<hbm>> -> memref<1x80x128xi32, #tpu.memory_space<hbm>>
      %dma_start3A_141 = tpu.memref_squeeze %dma_start3A_140 : memref<1x80x128xi32, #tpu.memory_space<hbm>> -> memref<80x128xi32, #tpu.memory_space<hbm>>
      tpu.enqueue_dma source(%dma_start3A_141 : memref<80x128xi32, #tpu.memory_space<hbm>>) target(%arg6 : memref<80x128xi32, #tpu.memory_space<vmem>>) target_semaphore(%run_scoped3A : memref<!tpu.dma_semaphore, #tpu.memory_space<semaphore_mem>>)
      %dma_wait3A = arith.constant 0 : i32
      %dma_wait3A_142 = arith.constant 0 : i32
      %dma_wait3A_143 = tpu.memref_slice %arg3[%add3A, %dma_wait3A, %dma_wait3A_142] : memref<32x80x128xi32, #tpu.memory_space<hbm>> -> memref<1x80x128xi32, #tpu.memory_space<hbm>>
      %dma_wait3A_144 = tpu.memref_squeeze %dma_wait3A_143 : memref<1x80x128xi32, #tpu.memory_space<hbm>> -> memref<80x128xi32, #tpu.memory_space<hbm>>
      %dma_wait3A_145 = arith.constant 0 : i32
      %dma_wait3A_146 = arith.constant 0 : i32
      %dma_wait3A_147 = tpu.memref_slice %arg3[%add3A, %dma_wait3A_145, %dma_wait3A_146] : memref<32x80x128xi32, #tpu.memory_space<hbm>> -> memref<1x80x128xi32, #tpu.memory_space<hbm>>
      %dma_wait3A_148 = tpu.memref_squeeze %dma_wait3A_147 : memref<1x80x128xi32, #tpu.memory_space<hbm>> -> memref<80x128xi32, #tpu.memory_space<hbm>>
      tpu.wait_dma2 semaphore(%run_scoped3A : memref<!tpu.dma_semaphore, #tpu.memory_space<semaphore_mem>>) src(%dma_wait3A_148 : memref<80x128xi32, #tpu.memory_space<hbm>>) dst(%arg6 : memref<80x128xi32, #tpu.memory_space<vmem>>)
      tpu.yield
    }) : () -> ()
    %scan3A_14 = arith.constant 0 : i32
    %scan3A_15 = arith.constant 0 : i32
    %scan3A_16 = arith.constant 20 : i32
    %scan3A_17 = arith.addi %scan3A_15, %scan3A_16 : i32
    %scan3A_18 = arith.constant 1 : i32
    %scan3A_19 = scf.for %scan3A_134 = %scan3A_15 to %scan3A_17 step %scan3A_18 iter_args(%scan3A_135 = %scan3A_14) -> (i32)  : i32 {
      %mul3A_136 = arith.constant 640 : i32
      %mul3A_137 = arith.muli %arg1, %mul3A_136 : i32
      %mul3A_138 = arith.constant 32 : i32
      %mul3A_139 = arith.muli %scan3A_134, %mul3A_138 : i32
      %add3A_140 = arith.addi %mul3A_137, %mul3A_139 : i32
      %dma_wait3A = arith.constant 0 : i32
      %dma_wait3A_141 = tpu.memref_slice %arg12[%add3A_140, %dma_wait3A] : memref<10240x128xf32, #tpu.memory_space<vmem_shared>> -> memref<32x128xf32, #tpu.memory_space<vmem_shared>>
      %dma_wait3A_142 = arith.constant 0 : i32
      %dma_wait3A_143 = tpu.memref_slice %arg12[%add3A_140, %dma_wait3A_142] : memref<10240x128xf32, #tpu.memory_space<vmem_shared>> -> memref<32x128xf32, #tpu.memory_space<vmem_shared>>
      tpu.wait_dma2 semaphore(%arg15 : memref<!tpu.dma_semaphore, #tpu.memory_space<semaphore_mem>>) src(%arg11 : memref<32x128xf32, #tpu.memory_space<vmem>>) dst(%dma_wait3A_143 : memref<32x128xf32, #tpu.memory_space<vmem_shared>>)
      %scan3A_144 = arith.constant 0 : i32
      scf.yield %scan3A_144 : i32
    }
    %scan3A_20 = arith.constant 20 : i32
    %barrier3A = arith.constant 0 : index
    tpu.barrier barrier_id(%barrier3A)
    %mul3A_21 = arith.constant 10240 : i32
    %mul3A_22 = arith.muli %add3A, %mul3A_21 : i32
    %add3A_23 = arith.constant 0 : i32
    %add3A_24 = arith.addi %mul3A_22, %add3A_23 : i32
    %dma_start3A = tpu.memref_slice %arg4[%add3A_24] : memref<327680xi32, #tpu.memory_space<hbm>> -> memref<128xi32, #tpu.memory_space<hbm>>
    %dma_start3A_25 = tpu.memref_slice %arg4[%add3A_24] : memref<327680xi32, #tpu.memory_space<hbm>> -> memref<128xi32, #tpu.memory_space<hbm>>
    tpu.enqueue_dma source(%dma_start3A_25 : memref<128xi32, #tpu.memory_space<hbm>>) target(%arg7 : memref<128xi32, #tpu.memory_space<vmem>>) target_semaphore(%arg15 : memref<!tpu.dma_semaphore, #tpu.memory_space<semaphore_mem>>)
    %dma_start3A_26 = arith.constant 0 : i32
    %dma_start3A_27 = arith.constant 0 : i32
    %dma_start3A_28 = arith.constant 0 : i32
    %dma_start3A_29 = tpu.memref_slice %arg9[%dma_start3A_27, %dma_start3A_28] : memref<128x128xf32, #tpu.memory_space<vmem>> -> memref<32x128xf32, #tpu.memory_space<vmem>>
    %dma_start3A_30 = arith.constant 0 : i32
    %dma_start3A_31 = tpu.memref_slice %arg6[%dma_start3A_26, %dma_start3A_30] : memref<80x128xi32, #tpu.memory_space<vmem>> -> memref<1x32xi32, #tpu.memory_space<vmem>>
    %dma_start3A_32 = tpu.memref_squeeze %dma_start3A_31 : memref<1x32xi32, #tpu.memory_space<vmem>> -> memref<32xi32, #tpu.memory_space<vmem>>
    %dma_start3A_33 = arith.constant 0 : i32
    %dma_start3A_34 = arith.constant 0 : i32
    %dma_start3A_35 = tpu.memref_slice %arg2[%dma_start3A_33, %dma_start3A_34] : memref<10240x128xf32, #tpu.memory_space<hbm>> -> memref<10240x128xf32, #tpu.memory_space<hbm>>
    tpu.enqueue_indirect_dma source(%dma_start3A_35 : memref<10240x128xf32, #tpu.memory_space<hbm>>) target(%dma_start3A_29 : memref<32x128xf32, #tpu.memory_space<vmem>>) offsets(%dma_start3A_32 : memref<32xi32, #tpu.memory_space<vmem>>) semaphore(%arg13 : memref<!tpu.dma_semaphore, #tpu.memory_space<semaphore_mem>>)
    %dma_start3A_36 = arith.constant 0 : i32
    %dma_start3A_37 = arith.constant 32 : i32
    %dma_start3A_38 = arith.constant 0 : i32
    %dma_start3A_39 = tpu.memref_slice %arg9[%dma_start3A_37, %dma_start3A_38] : memref<128x128xf32, #tpu.memory_space<vmem>> -> memref<32x128xf32, #tpu.memory_space<vmem>>
    %dma_start3A_40 = arith.constant 32 : i32
    %dma_start3A_41 = tpu.memref_slice %arg6[%dma_start3A_36, %dma_start3A_40] : memref<80x128xi32, #tpu.memory_space<vmem>> -> memref<1x32xi32, #tpu.memory_space<vmem>>
    %dma_start3A_42 = tpu.memref_squeeze %dma_start3A_41 : memref<1x32xi32, #tpu.memory_space<vmem>> -> memref<32xi32, #tpu.memory_space<vmem>>
    %dma_start3A_43 = arith.constant 0 : i32
    %dma_start3A_44 = arith.constant 0 : i32
    %dma_start3A_45 = tpu.memref_slice %arg2[%dma_start3A_43, %dma_start3A_44] : memref<10240x128xf32, #tpu.memory_space<hbm>> -> memref<10240x128xf32, #tpu.memory_space<hbm>>
    tpu.enqueue_indirect_dma source(%dma_start3A_45 : memref<10240x128xf32, #tpu.memory_space<hbm>>) target(%dma_start3A_39 : memref<32x128xf32, #tpu.memory_space<vmem>>) offsets(%dma_start3A_42 : memref<32xi32, #tpu.memory_space<vmem>>) semaphore(%arg13 : memref<!tpu.dma_semaphore, #tpu.memory_space<semaphore_mem>>)
    %dma_start3A_46 = arith.constant 0 : i32
    %dma_start3A_47 = arith.constant 64 : i32
    %dma_start3A_48 = arith.constant 0 : i32
    %dma_start3A_49 = tpu.memref_slice %arg9[%dma_start3A_47, %dma_start3A_48] : memref<128x128xf32, #tpu.memory_space<vmem>> -> memref<32x128xf32, #tpu.memory_space<vmem>>
    %dma_start3A_50 = arith.constant 64 : i32
    %dma_start3A_51 = tpu.memref_slice %arg6[%dma_start3A_46, %dma_start3A_50] : memref<80x128xi32, #tpu.memory_space<vmem>> -> memref<1x32xi32, #tpu.memory_space<vmem>>
    %dma_start3A_52 = tpu.memref_squeeze %dma_start3A_51 : memref<1x32xi32, #tpu.memory_space<vmem>> -> memref<32xi32, #tpu.memory_space<vmem>>
    %dma_start3A_53 = arith.constant 0 : i32
    %dma_start3A_54 = arith.constant 0 : i32
    %dma_start3A_55 = tpu.memref_slice %arg2[%dma_start3A_53, %dma_start3A_54] : memref<10240x128xf32, #tpu.memory_space<hbm>> -> memref<10240x128xf32, #tpu.memory_space<hbm>>
    tpu.enqueue_indirect_dma source(%dma_start3A_55 : memref<10240x128xf32, #tpu.memory_space<hbm>>) target(%dma_start3A_49 : memref<32x128xf32, #tpu.memory_space<vmem>>) offsets(%dma_start3A_52 : memref<32xi32, #tpu.memory_space<vmem>>) semaphore(%arg13 : memref<!tpu.dma_semaphore, #tpu.memory_space<semaphore_mem>>)
    %dma_start3A_56 = arith.constant 0 : i32
    %dma_start3A_57 = arith.constant 96 : i32
    %dma_start3A_58 = arith.constant 0 : i32
    %dma_start3A_59 = tpu.memref_slice %arg9[%dma_start3A_57, %dma_start3A_58] : memref<128x128xf32, #tpu.memory_space<vmem>> -> memref<32x128xf32, #tpu.memory_space<vmem>>
    %dma_start3A_60 = arith.constant 96 : i32
    %dma_start3A_61 = tpu.memref_slice %arg6[%dma_start3A_56, %dma_start3A_60] : memref<80x128xi32, #tpu.memory_space<vmem>> -> memref<1x32xi32, #tpu.memory_space<vmem>>
    %dma_start3A_62 = tpu.memref_squeeze %dma_start3A_61 : memref<1x32xi32, #tpu.memory_space<vmem>> -> memref<32xi32, #tpu.memory_space<vmem>>
    %dma_start3A_63 = arith.constant 0 : i32
    %dma_start3A_64 = arith.constant 0 : i32
    %dma_start3A_65 = tpu.memref_slice %arg2[%dma_start3A_63, %dma_start3A_64] : memref<10240x128xf32, #tpu.memory_space<hbm>> -> memref<10240x128xf32, #tpu.memory_space<hbm>>
    tpu.enqueue_indirect_dma source(%dma_start3A_65 : memref<10240x128xf32, #tpu.memory_space<hbm>>) target(%dma_start3A_59 : memref<32x128xf32, #tpu.memory_space<vmem>>) offsets(%dma_start3A_62 : memref<32xi32, #tpu.memory_space<vmem>>) semaphore(%arg13 : memref<!tpu.dma_semaphore, #tpu.memory_space<semaphore_mem>>)
    %mul3A_66 = arith.constant 10240 : i32
    %mul3A_67 = arith.muli %add3A, %mul3A_66 : i32
    %add3A_68 = arith.constant 128 : i32
    %add3A_69 = arith.addi %mul3A_67, %add3A_68 : i32
    %dma_start3A_70 = tpu.memref_slice %arg4[%add3A_69] : memref<327680xi32, #tpu.memory_space<hbm>> -> memref<128xi32, #tpu.memory_space<hbm>>
    %dma_start3A_71 = tpu.memref_slice %arg4[%add3A_69] : memref<327680xi32, #tpu.memory_space<hbm>> -> memref<128xi32, #tpu.memory_space<hbm>>
    tpu.enqueue_dma source(%dma_start3A_71 : memref<128xi32, #tpu.memory_space<hbm>>) target(%arg8 : memref<128xi32, #tpu.memory_space<vmem>>) target_semaphore(%arg16 : memref<!tpu.dma_semaphore, #tpu.memory_space<semaphore_mem>>)
    %dma_start3A_72 = arith.constant 1 : i32
    %dma_start3A_73 = arith.constant 0 : i32
    %dma_start3A_74 = arith.constant 0 : i32
    %dma_start3A_75 = tpu.memref_slice %arg10[%dma_start3A_73, %dma_start3A_74] : memref<128x128xf32, #tpu.memory_space<vmem>> -> memref<32x128xf32, #tpu.memory_space<vmem>>
    %dma_start3A_76 = arith.constant 0 : i32
    %dma_start3A_77 = tpu.memref_slice %arg6[%dma_start3A_72, %dma_start3A_76] : memref<80x128xi32, #tpu.memory_space<vmem>> -> memref<1x32xi32, #tpu.memory_space<vmem>>
    %dma_start3A_78 = tpu.memref_squeeze %dma_start3A_77 : memref<1x32xi32, #tpu.memory_space<vmem>> -> memref<32xi32, #tpu.memory_space<vmem>>
    %dma_start3A_79 = arith.constant 0 : i32
    %dma_start3A_80 = arith.constant 0 : i32
    %dma_start3A_81 = tpu.memref_slice %arg2[%dma_start3A_79, %dma_start3A_80] : memref<10240x128xf32, #tpu.memory_space<hbm>> -> memref<10240x128xf32, #tpu.memory_space<hbm>>
    tpu.enqueue_indirect_dma source(%dma_start3A_81 : memref<10240x128xf32, #tpu.memory_space<hbm>>) target(%dma_start3A_75 : memref<32x128xf32, #tpu.memory_space<vmem>>) offsets(%dma_start3A_78 : memref<32xi32, #tpu.memory_space<vmem>>) semaphore(%arg14 : memref<!tpu.dma_semaphore, #tpu.memory_space<semaphore_mem>>)
    %dma_start3A_82 = arith.constant 1 : i32
    %dma_start3A_83 = arith.constant 32 : i32
    %dma_start3A_84 = arith.constant 0 : i32
    %dma_start3A_85 = tpu.memref_slice %arg10[%dma_start3A_83, %dma_start3A_84] : memref<128x128xf32, #tpu.memory_space<vmem>> -> memref<32x128xf32, #tpu.memory_space<vmem>>
    %dma_start3A_86 = arith.constant 32 : i32
    %dma_start3A_87 = tpu.memref_slice %arg6[%dma_start3A_82, %dma_start3A_86] : memref<80x128xi32, #tpu.memory_space<vmem>> -> memref<1x32xi32, #tpu.memory_space<vmem>>
    %dma_start3A_88 = tpu.memref_squeeze %dma_start3A_87 : memref<1x32xi32, #tpu.memory_space<vmem>> -> memref<32xi32, #tpu.memory_space<vmem>>
    %dma_start3A_89 = arith.constant 0 : i32
    %dma_start3A_90 = arith.constant 0 : i32
    %dma_start3A_91 = tpu.memref_slice %arg2[%dma_start3A_89, %dma_start3A_90] : memref<10240x128xf32, #tpu.memory_space<hbm>> -> memref<10240x128xf32, #tpu.memory_space<hbm>>
    tpu.enqueue_indirect_dma source(%dma_start3A_91 : memref<10240x128xf32, #tpu.memory_space<hbm>>) target(%dma_start3A_85 : memref<32x128xf32, #tpu.memory_space<vmem>>) offsets(%dma_start3A_88 : memref<32xi32, #tpu.memory_space<vmem>>) semaphore(%arg14 : memref<!tpu.dma_semaphore, #tpu.memory_space<semaphore_mem>>)
    %dma_start3A_92 = arith.constant 1 : i32
    %dma_start3A_93 = arith.constant 64 : i32
    %dma_start3A_94 = arith.constant 0 : i32
    %dma_start3A_95 = tpu.memref_slice %arg10[%dma_start3A_93, %dma_start3A_94] : memref<128x128xf32, #tpu.memory_space<vmem>> -> memref<32x128xf32, #tpu.memory_space<vmem>>
    %dma_start3A_96 = arith.constant 64 : i32
    %dma_start3A_97 = tpu.memref_slice %arg6[%dma_start3A_92, %dma_start3A_96] : memref<80x128xi32, #tpu.memory_space<vmem>> -> memref<1x32xi32, #tpu.memory_space<vmem>>
    %dma_start3A_98 = tpu.memref_squeeze %dma_start3A_97 : memref<1x32xi32, #tpu.memory_space<vmem>> -> memref<32xi32, #tpu.memory_space<vmem>>
    %dma_start3A_99 = arith.constant 0 : i32
    %dma_start3A_100 = arith.constant 0 : i32
    %dma_start3A_101 = tpu.memref_slice %arg2[%dma_start3A_99, %dma_start3A_100] : memref<10240x128xf32, #tpu.memory_space<hbm>> -> memref<10240x128xf32, #tpu.memory_space<hbm>>
    tpu.enqueue_indirect_dma source(%dma_start3A_101 : memref<10240x128xf32, #tpu.memory_space<hbm>>) target(%dma_start3A_95 : memref<32x128xf32, #tpu.memory_space<vmem>>) offsets(%dma_start3A_98 : memref<32xi32, #tpu.memory_space<vmem>>) semaphore(%arg14 : memref<!tpu.dma_semaphore, #tpu.memory_space<semaphore_mem>>)
    %dma_start3A_102 = arith.constant 1 : i32
    %dma_start3A_103 = arith.constant 96 : i32
    %dma_start3A_104 = arith.constant 0 : i32
    %dma_start3A_105 = tpu.memref_slice %arg10[%dma_start3A_103, %dma_start3A_104] : memref<128x128xf32, #tpu.memory_space<vmem>> -> memref<32x128xf32, #tpu.memory_space<vmem>>
    %dma_start3A_106 = arith.constant 96 : i32
    %dma_start3A_107 = tpu.memref_slice %arg6[%dma_start3A_102, %dma_start3A_106] : memref<80x128xi32, #tpu.memory_space<vmem>> -> memref<1x32xi32, #tpu.memory_space<vmem>>
    %dma_start3A_108 = tpu.memref_squeeze %dma_start3A_107 : memref<1x32xi32, #tpu.memory_space<vmem>> -> memref<32xi32, #tpu.memory_space<vmem>>
    %dma_start3A_109 = arith.constant 0 : i32
    %dma_start3A_110 = arith.constant 0 : i32
    %dma_start3A_111 = tpu.memref_slice %arg2[%dma_start3A_109, %dma_start3A_110] : memref<10240x128xf32, #tpu.memory_space<hbm>> -> memref<10240x128xf32, #tpu.memory_space<hbm>>
    tpu.enqueue_indirect_dma source(%dma_start3A_111 : memref<10240x128xf32, #tpu.memory_space<hbm>>) target(%dma_start3A_105 : memref<32x128xf32, #tpu.memory_space<vmem>>) offsets(%dma_start3A_108 : memref<32xi32, #tpu.memory_space<vmem>>) semaphore(%arg14 : memref<!tpu.dma_semaphore, #tpu.memory_space<semaphore_mem>>)
    %scan3A_112 = arith.constant 0 : i32
    %scan3A_113 = arith.constant 0 : i32
    %scan3A_114 = arith.constant 40 : i32
    %scan3A_115 = arith.addi %scan3A_113, %scan3A_114 : i32
    %scan3A_116 = arith.constant 1 : i32
    %scan3A_117 = scf.for %scan3A_134 = %scan3A_113 to %scan3A_115 step %scan3A_116 iter_args(%scan3A_135 = %scan3A_112) -> (i32)  : i32 {
      %mul3A_136 = arith.constant 2 : i32
      %mul3A_137 = arith.muli %mul3A_136, %scan3A_134 : i32
      %dma_wait3A = arith.constant 0 : i32
      %dma_wait3A_138 = arith.constant 0 : i32
      %dma_wait3A_139 = tpu.memref_slice %arg2[%dma_wait3A, %dma_wait3A_138] : memref<10240x128xf32, #tpu.memory_space<hbm>> -> memref<128x128xf32, #tpu.memory_space<hbm>>
      %dma_wait3A_140 = arith.constant 0 : i32
      %dma_wait3A_141 = arith.constant 0 : i32
      %dma_wait3A_142 = tpu.memref_slice %arg2[%dma_wait3A_140, %dma_wait3A_141] : memref<10240x128xf32, #tpu.memory_space<hbm>> -> memref<128x128xf32, #tpu.memory_space<hbm>>
      tpu.wait_dma2 semaphore(%arg13 : memref<!tpu.dma_semaphore, #tpu.memory_space<semaphore_mem>>) src(%dma_wait3A_142 : memref<128x128xf32, #tpu.memory_space<hbm>>) dst(%arg9 : memref<128x128xf32, #tpu.memory_space<vmem>>)
      %dma_wait3A_143 = arith.constant 0 : i32
      %dma_wait3A_144 = tpu.memref_slice %arg4[%dma_wait3A_143] : memref<327680xi32, #tpu.memory_space<hbm>> -> memref<128xi32, #tpu.memory_space<hbm>>
      %dma_wait3A_145 = arith.constant 0 : i32
      %dma_wait3A_146 = tpu.memref_slice %arg4[%dma_wait3A_145] : memref<327680xi32, #tpu.memory_space<hbm>> -> memref<128xi32, #tpu.memory_space<hbm>>
      tpu.wait_dma2 semaphore(%arg15 : memref<!tpu.dma_semaphore, #tpu.memory_space<semaphore_mem>>) src(%dma_wait3A_146 : memref<128xi32, #tpu.memory_space<hbm>>) dst(%arg7 : memref<128xi32, #tpu.memory_space<vmem>>)
      "tpu.region"() ({
        %run_scoped3A = tpu.sem_alloc : memref<!tpu.dma_semaphore, #tpu.memory_space<semaphore_mem>>
        %dma_start3A_173 = arith.constant 0 : i32
        %dma_start3A_174 = arith.constant 0 : i32
        %dma_start3A_175 = tpu.memref_slice %arg12[%dma_start3A_173, %dma_start3A_174] : memref<10240x128xf32, #tpu.memory_space<vmem_shared>> -> memref<10240x128xf32, #tpu.memory_space<vmem_shared>>
        tpu.enqueue_indirect_dma source(%arg9 : memref<128x128xf32, #tpu.memory_space<vmem>>) target(%dma_start3A_175 : memref<10240x128xf32, #tpu.memory_space<vmem_shared>>) offsets(%arg7 : memref<128xi32, #tpu.memory_space<vmem>>) semaphore(%run_scoped3A : memref<!tpu.dma_semaphore, #tpu.memory_space<semaphore_mem>>) {add = true}
        %dma_wait3A_176 = arith.constant 0 : i32
        %dma_wait3A_177 = arith.constant 0 : i32
        %dma_wait3A_178 = tpu.memref_slice %arg12[%dma_wait3A_176, %dma_wait3A_177] : memref<10240x128xf32, #tpu.memory_space<vmem_shared>> -> memref<10240x128xf32, #tpu.memory_space<vmem_shared>>
        tpu.wait_indirect_dma semaphore(%run_scoped3A : memref<!tpu.dma_semaphore, #tpu.memory_space<semaphore_mem>>) src(%arg9 : memref<128x128xf32, #tpu.memory_space<vmem>>) dst(%dma_wait3A_178 : memref<10240x128xf32, #tpu.memory_space<vmem_shared>>)
        tpu.yield
      }) : () -> ()
      %add3A_147 = arith.constant 2 : i32
      %add3A_148 = arith.addi %mul3A_137, %add3A_147 : i32
      %lt3A = arith.constant 80 : i32
      %lt3A_149 = arith.cmpi slt, %add3A_148, %lt3A : i32
      %convert_element_type3A = arith.extui %lt3A_149 : i1 to i32
      %cond3A = arith.constant 0 : i32
      %cond3A_150 = arith.cmpi ne, %convert_element_type3A, %cond3A : i32
      scf.if %cond3A_150 {
        %add3A_173 = arith.constant 2 : i32
        %add3A_174 = arith.addi %mul3A_137, %add3A_173 : i32
        %mul3A_175 = arith.constant 10240 : i32
        %mul3A_176 = arith.muli %add3A, %mul3A_175 : i32
        %mul3A_177 = arith.constant 128 : i32
        %mul3A_178 = arith.muli %add3A_174, %mul3A_177 : i32
        %add3A_179 = arith.addi %mul3A_176, %mul3A_178 : i32
        %dma_start3A_180 = tpu.memref_slice %arg4[%add3A_179] : memref<327680xi32, #tpu.memory_space<hbm>> -> memref<128xi32, #tpu.memory_space<hbm>>
        %dma_start3A_181 = tpu.memref_slice %arg4[%add3A_179] : memref<327680xi32, #tpu.memory_space<hbm>> -> memref<128xi32, #tpu.memory_space<hbm>>
        tpu.enqueue_dma source(%dma_start3A_181 : memref<128xi32, #tpu.memory_space<hbm>>) target(%arg7 : memref<128xi32, #tpu.memory_space<vmem>>) target_semaphore(%arg15 : memref<!tpu.dma_semaphore, #tpu.memory_space<semaphore_mem>>)
        %dma_start3A_182 = arith.constant 0 : i32
        %dma_start3A_183 = arith.constant 0 : i32
        %dma_start3A_184 = tpu.memref_slice %arg9[%dma_start3A_182, %dma_start3A_183] : memref<128x128xf32, #tpu.memory_space<vmem>> -> memref<32x128xf32, #tpu.memory_space<vmem>>
        %dma_start3A_185 = arith.constant 0 : i32
        %dma_start3A_186 = tpu.memref_slice %arg6[%add3A_174, %dma_start3A_185] : memref<80x128xi32, #tpu.memory_space<vmem>> -> memref<1x32xi32, #tpu.memory_space<vmem>>
        %dma_start3A_187 = tpu.memref_squeeze %dma_start3A_186 : memref<1x32xi32, #tpu.memory_space<vmem>> -> memref<32xi32, #tpu.memory_space<vmem>>
        %dma_start3A_188 = arith.constant 0 : i32
        %dma_start3A_189 = arith.constant 0 : i32
        %dma_start3A_190 = tpu.memref_slice %arg2[%dma_start3A_188, %dma_start3A_189] : memref<10240x128xf32, #tpu.memory_space<hbm>> -> memref<10240x128xf32, #tpu.memory_space<hbm>>
        tpu.enqueue_indirect_dma source(%dma_start3A_190 : memref<10240x128xf32, #tpu.memory_space<hbm>>) target(%dma_start3A_184 : memref<32x128xf32, #tpu.memory_space<vmem>>) offsets(%dma_start3A_187 : memref<32xi32, #tpu.memory_space<vmem>>) semaphore(%arg13 : memref<!tpu.dma_semaphore, #tpu.memory_space<semaphore_mem>>)
        %dma_start3A_191 = arith.constant 32 : i32
        %dma_start3A_192 = arith.constant 0 : i32
        %dma_start3A_193 = tpu.memref_slice %arg9[%dma_start3A_191, %dma_start3A_192] : memref<128x128xf32, #tpu.memory_space<vmem>> -> memref<32x128xf32, #tpu.memory_space<vmem>>
        %dma_start3A_194 = arith.constant 32 : i32
        %dma_start3A_195 = tpu.memref_slice %arg6[%add3A_174, %dma_start3A_194] : memref<80x128xi32, #tpu.memory_space<vmem>> -> memref<1x32xi32, #tpu.memory_space<vmem>>
        %dma_start3A_196 = tpu.memref_squeeze %dma_start3A_195 : memref<1x32xi32, #tpu.memory_space<vmem>> -> memref<32xi32, #tpu.memory_space<vmem>>
        %dma_start3A_197 = arith.constant 0 : i32
        %dma_start3A_198 = arith.constant 0 : i32
        %dma_start3A_199 = tpu.memref_slice %arg2[%dma_start3A_197, %dma_start3A_198] : memref<10240x128xf32, #tpu.memory_space<hbm>> -> memref<10240x128xf32, #tpu.memory_space<hbm>>
        tpu.enqueue_indirect_dma source(%dma_start3A_199 : memref<10240x128xf32, #tpu.memory_space<hbm>>) target(%dma_start3A_193 : memref<32x128xf32, #tpu.memory_space<vmem>>) offsets(%dma_start3A_196 : memref<32xi32, #tpu.memory_space<vmem>>) semaphore(%arg13 : memref<!tpu.dma_semaphore, #tpu.memory_space<semaphore_mem>>)
        %dma_start3A_200 = arith.constant 64 : i32
        %dma_start3A_201 = arith.constant 0 : i32
        %dma_start3A_202 = tpu.memref_slice %arg9[%dma_start3A_200, %dma_start3A_201] : memref<128x128xf32, #tpu.memory_space<vmem>> -> memref<32x128xf32, #tpu.memory_space<vmem>>
        %dma_start3A_203 = arith.constant 64 : i32
        %dma_start3A_204 = tpu.memref_slice %arg6[%add3A_174, %dma_start3A_203] : memref<80x128xi32, #tpu.memory_space<vmem>> -> memref<1x32xi32, #tpu.memory_space<vmem>>
        %dma_start3A_205 = tpu.memref_squeeze %dma_start3A_204 : memref<1x32xi32, #tpu.memory_space<vmem>> -> memref<32xi32, #tpu.memory_space<vmem>>
        %dma_start3A_206 = arith.constant 0 : i32
        %dma_start3A_207 = arith.constant 0 : i32
        %dma_start3A_208 = tpu.memref_slice %arg2[%dma_start3A_206, %dma_start3A_207] : memref<10240x128xf32, #tpu.memory_space<hbm>> -> memref<10240x128xf32, #tpu.memory_space<hbm>>
        tpu.enqueue_indirect_dma source(%dma_start3A_208 : memref<10240x128xf32, #tpu.memory_space<hbm>>) target(%dma_start3A_202 : memref<32x128xf32, #tpu.memory_space<vmem>>) offsets(%dma_start3A_205 : memref<32xi32, #tpu.memory_space<vmem>>) semaphore(%arg13 : memref<!tpu.dma_semaphore, #tpu.memory_space<semaphore_mem>>)
        %dma_start3A_209 = arith.constant 96 : i32
        %dma_start3A_210 = arith.constant 0 : i32
        %dma_start3A_211 = tpu.memref_slice %arg9[%dma_start3A_209, %dma_start3A_210] : memref<128x128xf32, #tpu.memory_space<vmem>> -> memref<32x128xf32, #tpu.memory_space<vmem>>
        %dma_start3A_212 = arith.constant 96 : i32
        %dma_start3A_213 = tpu.memref_slice %arg6[%add3A_174, %dma_start3A_212] : memref<80x128xi32, #tpu.memory_space<vmem>> -> memref<1x32xi32, #tpu.memory_space<vmem>>
        %dma_start3A_214 = tpu.memref_squeeze %dma_start3A_213 : memref<1x32xi32, #tpu.memory_space<vmem>> -> memref<32xi32, #tpu.memory_space<vmem>>
        %dma_start3A_215 = arith.constant 0 : i32
        %dma_start3A_216 = arith.constant 0 : i32
        %dma_start3A_217 = tpu.memref_slice %arg2[%dma_start3A_215, %dma_start3A_216] : memref<10240x128xf32, #tpu.memory_space<hbm>> -> memref<10240x128xf32, #tpu.memory_space<hbm>>
        tpu.enqueue_indirect_dma source(%dma_start3A_217 : memref<10240x128xf32, #tpu.memory_space<hbm>>) target(%dma_start3A_211 : memref<32x128xf32, #tpu.memory_space<vmem>>) offsets(%dma_start3A_214 : memref<32xi32, #tpu.memory_space<vmem>>) semaphore(%arg13 : memref<!tpu.dma_semaphore, #tpu.memory_space<semaphore_mem>>)
      } else {
      }
      %mul3A_151 = arith.constant 2 : i32
      %mul3A_152 = arith.muli %mul3A_151, %scan3A_134 : i32
      %add3A_153 = arith.constant 1 : i32
      %add3A_154 = arith.addi %mul3A_152, %add3A_153 : i32
      %dma_wait3A_155 = arith.constant 0 : i32
      %dma_wait3A_156 = arith.constant 0 : i32
      %dma_wait3A_157 = tpu.memref_slice %arg2[%dma_wait3A_155, %dma_wait3A_156] : memref<10240x128xf32, #tpu.memory_space<hbm>> -> memref<128x128xf32, #tpu.memory_space<hbm>>
      %dma_wait3A_158 = arith.constant 0 : i32
      %dma_wait3A_159 = arith.constant 0 : i32
      %dma_wait3A_160 = tpu.memref_slice %arg2[%dma_wait3A_158, %dma_wait3A_159] : memref<10240x128xf32, #tpu.memory_space<hbm>> -> memref<128x128xf32, #tpu.memory_space<hbm>>
      tpu.wait_dma2 semaphore(%arg14 : memref<!tpu.dma_semaphore, #tpu.memory_space<semaphore_mem>>) src(%dma_wait3A_160 : memref<128x128xf32, #tpu.memory_space<hbm>>) dst(%arg10 : memref<128x128xf32, #tpu.memory_space<vmem>>)
      %dma_wait3A_161 = arith.constant 0 : i32
      %dma_wait3A_162 = tpu.memref_slice %arg4[%dma_wait3A_161] : memref<327680xi32, #tpu.memory_space<hbm>> -> memref<128xi32, #tpu.memory_space<hbm>>
      %dma_wait3A_163 = arith.constant 0 : i32
      %dma_wait3A_164 = tpu.memref_slice %arg4[%dma_wait3A_163] : memref<327680xi32, #tpu.memory_space<hbm>> -> memref<128xi32, #tpu.memory_space<hbm>>
      tpu.wait_dma2 semaphore(%arg16 : memref<!tpu.dma_semaphore, #tpu.memory_space<semaphore_mem>>) src(%dma_wait3A_164 : memref<128xi32, #tpu.memory_space<hbm>>) dst(%arg8 : memref<128xi32, #tpu.memory_space<vmem>>)
      "tpu.region"() ({
        %run_scoped3A = tpu.sem_alloc : memref<!tpu.dma_semaphore, #tpu.memory_space<semaphore_mem>>
        %dma_start3A_173 = arith.constant 0 : i32
        %dma_start3A_174 = arith.constant 0 : i32
        %dma_start3A_175 = tpu.memref_slice %arg12[%dma_start3A_173, %dma_start3A_174] : memref<10240x128xf32, #tpu.memory_space<vmem_shared>> -> memref<10240x128xf32, #tpu.memory_space<vmem_shared>>
        tpu.enqueue_indirect_dma source(%arg10 : memref<128x128xf32, #tpu.memory_space<vmem>>) target(%dma_start3A_175 : memref<10240x128xf32, #tpu.memory_space<vmem_shared>>) offsets(%arg8 : memref<128xi32, #tpu.memory_space<vmem>>) semaphore(%run_scoped3A : memref<!tpu.dma_semaphore, #tpu.memory_space<semaphore_mem>>) {add = true}
        %dma_wait3A_176 = arith.constant 0 : i32
        %dma_wait3A_177 = arith.constant 0 : i32
        %dma_wait3A_178 = tpu.memref_slice %arg12[%dma_wait3A_176, %dma_wait3A_177] : memref<10240x128xf32, #tpu.memory_space<vmem_shared>> -> memref<10240x128xf32, #tpu.memory_space<vmem_shared>>
        tpu.wait_indirect_dma semaphore(%run_scoped3A : memref<!tpu.dma_semaphore, #tpu.memory_space<semaphore_mem>>) src(%arg10 : memref<128x128xf32, #tpu.memory_space<vmem>>) dst(%dma_wait3A_178 : memref<10240x128xf32, #tpu.memory_space<vmem_shared>>)
        tpu.yield
      }) : () -> ()
      %add3A_165 = arith.constant 2 : i32
      %add3A_166 = arith.addi %add3A_154, %add3A_165 : i32
      %lt3A_167 = arith.constant 80 : i32
      %lt3A_168 = arith.cmpi slt, %add3A_166, %lt3A_167 : i32
      %convert_element_type3A_169 = arith.extui %lt3A_168 : i1 to i32
      %cond3A_170 = arith.constant 0 : i32
      %cond3A_171 = arith.cmpi ne, %convert_element_type3A_169, %cond3A_170 : i32
      scf.if %cond3A_171 {
        %add3A_173 = arith.constant 2 : i32
        %add3A_174 = arith.addi %add3A_154, %add3A_173 : i32
        %mul3A_175 = arith.constant 10240 : i32
        %mul3A_176 = arith.muli %add3A, %mul3A_175 : i32
        %mul3A_177 = arith.constant 128 : i32
        %mul3A_178 = arith.muli %add3A_174, %mul3A_177 : i32
        %add3A_179 = arith.addi %mul3A_176, %mul3A_178 : i32
        %dma_start3A_180 = tpu.memref_slice %arg4[%add3A_179] : memref<327680xi32, #tpu.memory_space<hbm>> -> memref<128xi32, #tpu.memory_space<hbm>>
        %dma_start3A_181 = tpu.memref_slice %arg4[%add3A_179] : memref<327680xi32, #tpu.memory_space<hbm>> -> memref<128xi32, #tpu.memory_space<hbm>>
        tpu.enqueue_dma source(%dma_start3A_181 : memref<128xi32, #tpu.memory_space<hbm>>) target(%arg8 : memref<128xi32, #tpu.memory_space<vmem>>) target_semaphore(%arg16 : memref<!tpu.dma_semaphore, #tpu.memory_space<semaphore_mem>>)
        %dma_start3A_182 = arith.constant 0 : i32
        %dma_start3A_183 = arith.constant 0 : i32
        %dma_start3A_184 = tpu.memref_slice %arg10[%dma_start3A_182, %dma_start3A_183] : memref<128x128xf32, #tpu.memory_space<vmem>> -> memref<32x128xf32, #tpu.memory_space<vmem>>
        %dma_start3A_185 = arith.constant 0 : i32
        %dma_start3A_186 = tpu.memref_slice %arg6[%add3A_174, %dma_start3A_185] : memref<80x128xi32, #tpu.memory_space<vmem>> -> memref<1x32xi32, #tpu.memory_space<vmem>>
        %dma_start3A_187 = tpu.memref_squeeze %dma_start3A_186 : memref<1x32xi32, #tpu.memory_space<vmem>> -> memref<32xi32, #tpu.memory_space<vmem>>
        %dma_start3A_188 = arith.constant 0 : i32
        %dma_start3A_189 = arith.constant 0 : i32
        %dma_start3A_190 = tpu.memref_slice %arg2[%dma_start3A_188, %dma_start3A_189] : memref<10240x128xf32, #tpu.memory_space<hbm>> -> memref<10240x128xf32, #tpu.memory_space<hbm>>
        tpu.enqueue_indirect_dma source(%dma_start3A_190 : memref<10240x128xf32, #tpu.memory_space<hbm>>) target(%dma_start3A_184 : memref<32x128xf32, #tpu.memory_space<vmem>>) offsets(%dma_start3A_187 : memref<32xi32, #tpu.memory_space<vmem>>) semaphore(%arg14 : memref<!tpu.dma_semaphore, #tpu.memory_space<semaphore_mem>>)
        %dma_start3A_191 = arith.constant 32 : i32
        %dma_start3A_192 = arith.constant 0 : i32
        %dma_start3A_193 = tpu.memref_slice %arg10[%dma_start3A_191, %dma_start3A_192] : memref<128x128xf32, #tpu.memory_space<vmem>> -> memref<32x128xf32, #tpu.memory_space<vmem>>
        %dma_start3A_194 = arith.constant 32 : i32
        %dma_start3A_195 = tpu.memref_slice %arg6[%add3A_174, %dma_start3A_194] : memref<80x128xi32, #tpu.memory_space<vmem>> -> memref<1x32xi32, #tpu.memory_space<vmem>>
        %dma_start3A_196 = tpu.memref_squeeze %dma_start3A_195 : memref<1x32xi32, #tpu.memory_space<vmem>> -> memref<32xi32, #tpu.memory_space<vmem>>
        %dma_start3A_197 = arith.constant 0 : i32
        %dma_start3A_198 = arith.constant 0 : i32
        %dma_start3A_199 = tpu.memref_slice %arg2[%dma_start3A_197, %dma_start3A_198] : memref<10240x128xf32, #tpu.memory_space<hbm>> -> memref<10240x128xf32, #tpu.memory_space<hbm>>
        tpu.enqueue_indirect_dma source(%dma_start3A_199 : memref<10240x128xf32, #tpu.memory_space<hbm>>) target(%dma_start3A_193 : memref<32x128xf32, #tpu.memory_space<vmem>>) offsets(%dma_start3A_196 : memref<32xi32, #tpu.memory_space<vmem>>) semaphore(%arg14 : memref<!tpu.dma_semaphore, #tpu.memory_space<semaphore_mem>>)
        %dma_start3A_200 = arith.constant 64 : i32
        %dma_start3A_201 = arith.constant 0 : i32
        %dma_start3A_202 = tpu.memref_slice %arg10[%dma_start3A_200, %dma_start3A_201] : memref<128x128xf32, #tpu.memory_space<vmem>> -> memref<32x128xf32, #tpu.memory_space<vmem>>
        %dma_start3A_203 = arith.constant 64 : i32
        %dma_start3A_204 = tpu.memref_slice %arg6[%add3A_174, %dma_start3A_203] : memref<80x128xi32, #tpu.memory_space<vmem>> -> memref<1x32xi32, #tpu.memory_space<vmem>>
        %dma_start3A_205 = tpu.memref_squeeze %dma_start3A_204 : memref<1x32xi32, #tpu.memory_space<vmem>> -> memref<32xi32, #tpu.memory_space<vmem>>
        %dma_start3A_206 = arith.constant 0 : i32
        %dma_start3A_207 = arith.constant 0 : i32
        %dma_start3A_208 = tpu.memref_slice %arg2[%dma_start3A_206, %dma_start3A_207] : memref<10240x128xf32, #tpu.memory_space<hbm>> -> memref<10240x128xf32, #tpu.memory_space<hbm>>
        tpu.enqueue_indirect_dma source(%dma_start3A_208 : memref<10240x128xf32, #tpu.memory_space<hbm>>) target(%dma_start3A_202 : memref<32x128xf32, #tpu.memory_space<vmem>>) offsets(%dma_start3A_205 : memref<32xi32, #tpu.memory_space<vmem>>) semaphore(%arg14 : memref<!tpu.dma_semaphore, #tpu.memory_space<semaphore_mem>>)
        %dma_start3A_209 = arith.constant 96 : i32
        %dma_start3A_210 = arith.constant 0 : i32
        %dma_start3A_211 = tpu.memref_slice %arg10[%dma_start3A_209, %dma_start3A_210] : memref<128x128xf32, #tpu.memory_space<vmem>> -> memref<32x128xf32, #tpu.memory_space<vmem>>
        %dma_start3A_212 = arith.constant 96 : i32
        %dma_start3A_213 = tpu.memref_slice %arg6[%add3A_174, %dma_start3A_212] : memref<80x128xi32, #tpu.memory_space<vmem>> -> memref<1x32xi32, #tpu.memory_space<vmem>>
        %dma_start3A_214 = tpu.memref_squeeze %dma_start3A_213 : memref<1x32xi32, #tpu.memory_space<vmem>> -> memref<32xi32, #tpu.memory_space<vmem>>
        %dma_start3A_215 = arith.constant 0 : i32
        %dma_start3A_216 = arith.constant 0 : i32
        %dma_start3A_217 = tpu.memref_slice %arg2[%dma_start3A_215, %dma_start3A_216] : memref<10240x128xf32, #tpu.memory_space<hbm>> -> memref<10240x128xf32, #tpu.memory_space<hbm>>
        tpu.enqueue_indirect_dma source(%dma_start3A_217 : memref<10240x128xf32, #tpu.memory_space<hbm>>) target(%dma_start3A_211 : memref<32x128xf32, #tpu.memory_space<vmem>>) offsets(%dma_start3A_214 : memref<32xi32, #tpu.memory_space<vmem>>) semaphore(%arg14 : memref<!tpu.dma_semaphore, #tpu.memory_space<semaphore_mem>>)
      } else {
      }
      %scan3A_172 = arith.constant 0 : i32
      scf.yield %scan3A_172 : i32
    }
    %scan3A_118 = arith.constant 40 : i32
    %barrier3A_119 = arith.constant 0 : index
    tpu.barrier barrier_id(%barrier3A_119)
    %scan3A_120 = arith.constant 0 : i32
    %scan3A_121 = arith.constant 0 : i32
    %scan3A_122 = arith.constant 5 : i32
    %scan3A_123 = arith.addi %scan3A_121, %scan3A_122 : i32
    %scan3A_124 = arith.constant 1 : i32
    %scan3A_125 = scf.for %scan3A_134 = %scan3A_121 to %scan3A_123 step %scan3A_124 iter_args(%scan3A_135 = %scan3A_120) -> (i32)  : i32 {
      %mul3A_136 = arith.constant 640 : i32
      %mul3A_137 = arith.muli %arg1, %mul3A_136 : i32
      %mul3A_138 = arith.constant 128 : i32
      %mul3A_139 = arith.muli %scan3A_134, %mul3A_138 : i32
      %add3A_140 = arith.addi %mul3A_137, %mul3A_139 : i32
      %dma_start3A_141 = arith.constant 0 : i32
      %dma_start3A_142 = tpu.memref_slice %arg5[%arg0, %add3A_140, %dma_start3A_141] : memref<2x10240x128xf32, #tpu.memory_space<hbm>> -> memref<1x128x128xf32, #tpu.memory_space<hbm>>
      %dma_start3A_143 = tpu.memref_squeeze %dma_start3A_142 : memref<1x128x128xf32, #tpu.memory_space<hbm>> -> memref<128x128xf32, #tpu.memory_space<hbm>>
      %dma_start3A_144 = arith.constant 0 : i32
      %dma_start3A_145 = tpu.memref_slice %arg12[%add3A_140, %dma_start3A_144] : memref<10240x128xf32, #tpu.memory_space<vmem_shared>> -> memref<128x128xf32, #tpu.memory_space<vmem_shared>>
      tpu.enqueue_dma source(%dma_start3A_145 : memref<128x128xf32, #tpu.memory_space<vmem_shared>>) target(%dma_start3A_143 : memref<128x128xf32, #tpu.memory_space<hbm>>) target_semaphore(%arg15 : memref<!tpu.dma_semaphore, #tpu.memory_space<semaphore_mem>>)
      %scan3A_146 = arith.constant 0 : i32
      scf.yield %scan3A_146 : i32
    }
    %scan3A_126 = arith.constant 5 : i32
    %scan3A_127 = arith.constant 0 : i32
    %scan3A_128 = arith.constant 0 : i32
    %scan3A_129 = arith.constant 5 : i32
    %scan3A_130 = arith.addi %scan3A_128, %scan3A_129 : i32
    %scan3A_131 = arith.constant 1 : i32
    %scan3A_132 = scf.for %scan3A_134 = %scan3A_128 to %scan3A_130 step %scan3A_131 iter_args(%scan3A_135 = %scan3A_127) -> (i32)  : i32 {
      %mul3A_136 = arith.constant 640 : i32
      %mul3A_137 = arith.muli %arg1, %mul3A_136 : i32
      %mul3A_138 = arith.constant 128 : i32
      %mul3A_139 = arith.muli %scan3A_134, %mul3A_138 : i32
      %add3A_140 = arith.addi %mul3A_137, %mul3A_139 : i32
      %dma_wait3A = arith.constant 0 : i32
      %dma_wait3A_141 = tpu.memref_slice %arg5[%arg0, %add3A_140, %dma_wait3A] : memref<2x10240x128xf32, #tpu.memory_space<hbm>> -> memref<1x128x128xf32, #tpu.memory_space<hbm>>
      %dma_wait3A_142 = tpu.memref_squeeze %dma_wait3A_141 : memref<1x128x128xf32, #tpu.memory_space<hbm>> -> memref<128x128xf32, #tpu.memory_space<hbm>>
      %dma_wait3A_143 = arith.constant 0 : i32
      %dma_wait3A_144 = tpu.memref_slice %arg12[%add3A_140, %dma_wait3A_143] : memref<10240x128xf32, #tpu.memory_space<vmem_shared>> -> memref<128x128xf32, #tpu.memory_space<vmem_shared>>
      tpu.wait_dma2 semaphore(%arg15 : memref<!tpu.dma_semaphore, #tpu.memory_space<semaphore_mem>>) src(%dma_wait3A_144 : memref<128x128xf32, #tpu.memory_space<vmem_shared>>) dst(%dma_wait3A_142 : memref<128x128xf32, #tpu.memory_space<hbm>>)
      %scan3A_145 = arith.constant 0 : i32
      scf.yield %scan3A_145 : i32
    }
    %scan3A_133 = arith.constant 5 : i32
    return
  }
}

#map = affine_map<(d0, d1) -> (0)>
#map1 = affine_map<(d0, d1) -> (0, 0, 0)>
#map2 = affine_map<(d0, d1) -> (0, 0)>
module attributes {stable_mosaic.version = 14 : i64} {
  func.func @sc_gather_deg(%arg0: i32, %arg1: i32, %arg2: memref<10240xi32, #tpu.memory_space<hbm>>, %arg3: memref<32x80x128xi32, #tpu.memory_space<hbm>>, %arg4: memref<30000x128xf32, #tpu.memory_space<hbm>>, %arg5: memref<10240x128xf32, #tpu.memory_space<hbm>>, %arg6: memref<2x10240xf32, #tpu.memory_space<hbm>>, %arg7: memref<320xi32, #tpu.memory_space<vmem>>, %arg8: memref<80x128xi32, #tpu.memory_space<vmem>>, %arg9: memref<80x128xf32, #tpu.memory_space<vmem>>, %arg10: memref<80x128xf32, #tpu.memory_space<vmem>>, %arg11: memref<128xf32, #tpu.memory_space<vmem>>, %arg12: memref<640xf32, #tpu.memory_space<vmem>>, %arg13: memref<10240xf32, #tpu.memory_space<vmem_shared>>, %arg14: memref<!tpu.dma_semaphore, #tpu.memory_space<semaphore_mem>>, %arg15: memref<!tpu.dma_semaphore, #tpu.memory_space<semaphore_mem>>, %arg16: memref<!tpu.dma_semaphore, #tpu.memory_space<semaphore_mem>>) attributes {dimension_semantics = [#tpu.dimension_semantics<core_parallel>, #tpu.dimension_semantics<subcore_parallel>], iteration_bounds = array<i64: 2, 16>, scalar_prefetch = 0 : i64, scratch_operands = 10 : i64, tpu.core_type = #tpu.core_type<sc_vector_subcore>, window_params = [{transform_indices = #map}, {transform_indices = #map1}, {transform_indices = #map2}, {transform_indices = #map2}, {transform_indices = #map2}]} {
    %mul3A = arith.constant 2 : i32
    %mul3A_0 = arith.muli %arg1, %mul3A : i32
    %add3A = arith.addi %mul3A_0, %arg0 : i32
    %scan3A = arith.constant 0 : i32
    %scan3A_1 = arith.constant 0 : i32
    %scan3A_2 = arith.constant 40 : i32
    %scan3A_3 = arith.addi %scan3A_1, %scan3A_2 : i32
    %scan3A_4 = arith.constant 1 : i32
    %scan3A_5 = scf.for %scan3A_96 = %scan3A_1 to %scan3A_3 step %scan3A_4 iter_args(%scan3A_97 = %scan3A) -> (i32)  : i32 {
      %broadcast_in_dim3A = arith.constant 0.000000e+00 : f32
      %broadcast_in_dim3A_98 = vector.broadcast %broadcast_in_dim3A : f32 to vector<16xf32>
      %mul3A_99 = arith.constant 16 : i32
      %mul3A_100 = arith.muli %scan3A_96, %mul3A_99 : i32
      %swap3A = arith.index_cast %mul3A_100 : i32 to index
      %swap3A_101 = tpu.vector_load %arg12[%swap3A] {strides = array<i32>} : memref<640xf32, #tpu.memory_space<vmem>>, vector<16xf32>,
      %swap3A_102 = vector.shape_cast %swap3A_101 : vector<16xf32> to vector<16xf32>
      %swap3A_103 = vector.shape_cast %broadcast_in_dim3A_98 : vector<16xf32> to vector<16xf32>
      tpu.vector_store %arg12[%swap3A], %swap3A_103 {strides = array<i32>} : memref<640xf32, #tpu.memory_space<vmem>>, vector<16xf32>,
      %scan3A_104 = arith.constant 0 : i32
      scf.yield %scan3A_104 : i32
    }
    %scan3A_6 = arith.constant 40 : i32
    %scan3A_7 = arith.constant 0 : i32
    %scan3A_8 = arith.constant 0 : i32
    %scan3A_9 = arith.constant 8 : i32
    %scan3A_10 = arith.addi %scan3A_8, %scan3A_9 : i32
    %scan3A_11 = arith.constant 1 : i32
    %scan3A_12 = scf.for %scan3A_96 = %scan3A_8 to %scan3A_10 step %scan3A_11 iter_args(%scan3A_97 = %scan3A_7) -> (i32)  : i32 {
      %broadcast_in_dim3A = arith.constant 1.000000e+00 : f32
      %broadcast_in_dim3A_98 = vector.broadcast %broadcast_in_dim3A : f32 to vector<16xf32>
      %mul3A_99 = arith.constant 16 : i32
      %mul3A_100 = arith.muli %scan3A_96, %mul3A_99 : i32
      %swap3A = arith.index_cast %mul3A_100 : i32 to index
      %swap3A_101 = tpu.vector_load %arg11[%swap3A] {strides = array<i32>} : memref<128xf32, #tpu.memory_space<vmem>>, vector<16xf32>,
      %swap3A_102 = vector.shape_cast %swap3A_101 : vector<16xf32> to vector<16xf32>
      %swap3A_103 = vector.shape_cast %broadcast_in_dim3A_98 : vector<16xf32> to vector<16xf32>
      tpu.vector_store %arg11[%swap3A], %swap3A_103 {strides = array<i32>} : memref<128xf32, #tpu.memory_space<vmem>>, vector<16xf32>,
      %scan3A_104 = arith.constant 0 : i32
      scf.yield %scan3A_104 : i32
    }
    %scan3A_13 = arith.constant 8 : i32
    %mul3A_14 = arith.constant 640 : i32
    %mul3A_15 = arith.muli %arg1, %mul3A_14 : i32
    "tpu.region"() ({
      %run_scoped3A = tpu.sem_alloc : memref<!tpu.dma_semaphore, #tpu.memory_space<semaphore_mem>>
      %dma_start3A_96 = tpu.memref_slice %arg13[%mul3A_15] : memref<10240xf32, #tpu.memory_space<vmem_shared>> -> memref<640xf32, #tpu.memory_space<vmem_shared>>
      %dma_start3A_97 = tpu.memref_slice %arg13[%mul3A_15] : memref<10240xf32, #tpu.memory_space<vmem_shared>> -> memref<640xf32, #tpu.memory_space<vmem_shared>>
      tpu.enqueue_dma source(%arg12 : memref<640xf32, #tpu.memory_space<vmem>>) target(%dma_start3A_97 : memref<640xf32, #tpu.memory_space<vmem_shared>>) target_semaphore(%run_scoped3A : memref<!tpu.dma_semaphore, #tpu.memory_space<semaphore_mem>>)
      %dma_wait3A_98 = tpu.memref_slice %arg13[%mul3A_15] : memref<10240xf32, #tpu.memory_space<vmem_shared>> -> memref<640xf32, #tpu.memory_space<vmem_shared>>
      %dma_wait3A_99 = tpu.memref_slice %arg13[%mul3A_15] : memref<10240xf32, #tpu.memory_space<vmem_shared>> -> memref<640xf32, #tpu.memory_space<vmem_shared>>
      tpu.wait_dma2 semaphore(%run_scoped3A : memref<!tpu.dma_semaphore, #tpu.memory_space<semaphore_mem>>) src(%arg12 : memref<640xf32, #tpu.memory_space<vmem>>) dst(%dma_wait3A_99 : memref<640xf32, #tpu.memory_space<vmem_shared>>)
      tpu.yield
    }) : () -> ()
    %mul3A_16 = arith.constant 320 : i32
    %mul3A_17 = arith.muli %add3A, %mul3A_16 : i32
    "tpu.region"() ({
      %run_scoped3A = tpu.sem_alloc : memref<!tpu.dma_semaphore, #tpu.memory_space<semaphore_mem>>
      %dma_start3A_96 = tpu.memref_slice %arg2[%mul3A_17] : memref<10240xi32, #tpu.memory_space<hbm>> -> memref<320xi32, #tpu.memory_space<hbm>>
      %dma_start3A_97 = tpu.memref_slice %arg2[%mul3A_17] : memref<10240xi32, #tpu.memory_space<hbm>> -> memref<320xi32, #tpu.memory_space<hbm>>
      tpu.enqueue_dma source(%dma_start3A_97 : memref<320xi32, #tpu.memory_space<hbm>>) target(%arg7 : memref<320xi32, #tpu.memory_space<vmem>>) target_semaphore(%run_scoped3A : memref<!tpu.dma_semaphore, #tpu.memory_space<semaphore_mem>>)
      %dma_wait3A_98 = tpu.memref_slice %arg2[%mul3A_17] : memref<10240xi32, #tpu.memory_space<hbm>> -> memref<320xi32, #tpu.memory_space<hbm>>
      %dma_wait3A_99 = tpu.memref_slice %arg2[%mul3A_17] : memref<10240xi32, #tpu.memory_space<hbm>> -> memref<320xi32, #tpu.memory_space<hbm>>
      tpu.wait_dma2 semaphore(%run_scoped3A : memref<!tpu.dma_semaphore, #tpu.memory_space<semaphore_mem>>) src(%dma_wait3A_99 : memref<320xi32, #tpu.memory_space<hbm>>) dst(%arg7 : memref<320xi32, #tpu.memory_space<vmem>>)
      tpu.yield
    }) : () -> ()
    "tpu.region"() ({
      %run_scoped3A = tpu.sem_alloc : memref<!tpu.dma_semaphore, #tpu.memory_space<semaphore_mem>>
      %dma_start3A_96 = arith.constant 0 : i32
      %dma_start3A_97 = arith.constant 0 : i32
      %dma_start3A_98 = tpu.memref_slice %arg3[%add3A, %dma_start3A_96, %dma_start3A_97] : memref<32x80x128xi32, #tpu.memory_space<hbm>> -> memref<1x80x128xi32, #tpu.memory_space<hbm>>
      %dma_start3A_99 = tpu.memref_squeeze %dma_start3A_98 : memref<1x80x128xi32, #tpu.memory_space<hbm>> -> memref<80x128xi32, #tpu.memory_space<hbm>>
      %dma_start3A_100 = arith.constant 0 : i32
      %dma_start3A_101 = arith.constant 0 : i32
      %dma_start3A_102 = tpu.memref_slice %arg3[%add3A, %dma_start3A_100, %dma_start3A_101] : memref<32x80x128xi32, #tpu.memory_space<hbm>> -> memref<1x80x128xi32, #tpu.memory_space<hbm>>
      %dma_start3A_103 = tpu.memref_squeeze %dma_start3A_102 : memref<1x80x128xi32, #tpu.memory_space<hbm>> -> memref<80x128xi32, #tpu.memory_space<hbm>>
      tpu.enqueue_dma source(%dma_start3A_103 : memref<80x128xi32, #tpu.memory_space<hbm>>) target(%arg8 : memref<80x128xi32, #tpu.memory_space<vmem>>) target_semaphore(%run_scoped3A : memref<!tpu.dma_semaphore, #tpu.memory_space<semaphore_mem>>)
      %dma_wait3A_104 = arith.constant 0 : i32
      %dma_wait3A_105 = arith.constant 0 : i32
      %dma_wait3A_106 = tpu.memref_slice %arg3[%add3A, %dma_wait3A_104, %dma_wait3A_105] : memref<32x80x128xi32, #tpu.memory_space<hbm>> -> memref<1x80x128xi32, #tpu.memory_space<hbm>>
      %dma_wait3A_107 = tpu.memref_squeeze %dma_wait3A_106 : memref<1x80x128xi32, #tpu.memory_space<hbm>> -> memref<80x128xi32, #tpu.memory_space<hbm>>
      %dma_wait3A_108 = arith.constant 0 : i32
      %dma_wait3A_109 = arith.constant 0 : i32
      %dma_wait3A_110 = tpu.memref_slice %arg3[%add3A, %dma_wait3A_108, %dma_wait3A_109] : memref<32x80x128xi32, #tpu.memory_space<hbm>> -> memref<1x80x128xi32, #tpu.memory_space<hbm>>
      %dma_wait3A_111 = tpu.memref_squeeze %dma_wait3A_110 : memref<1x80x128xi32, #tpu.memory_space<hbm>> -> memref<80x128xi32, #tpu.memory_space<hbm>>
      tpu.wait_dma2 semaphore(%run_scoped3A : memref<!tpu.dma_semaphore, #tpu.memory_space<semaphore_mem>>) src(%dma_wait3A_111 : memref<80x128xi32, #tpu.memory_space<hbm>>) dst(%arg8 : memref<80x128xi32, #tpu.memory_space<vmem>>)
      tpu.yield
    }) : () -> ()
    %barrier3A = arith.constant 0 : index
    tpu.barrier barrier_id(%barrier3A)
    %scan3A_18 = arith.constant 0 : i32
    %scan3A_19 = arith.constant 0 : i32
    %scan3A_20 = arith.constant 80 : i32
    %scan3A_21 = arith.addi %scan3A_19, %scan3A_20 : i32
    %scan3A_22 = arith.constant 1 : i32
    %scan3A_23 = scf.for %scan3A_96 = %scan3A_19 to %scan3A_21 step %scan3A_22 iter_args(%scan3A_97 = %scan3A_18) -> (i32)  : i32 {
      %dma_start3A_98 = arith.constant 0 : i32
      %dma_start3A_99 = tpu.memref_slice %arg8[%scan3A_96, %dma_start3A_98] : memref<80x128xi32, #tpu.memory_space<vmem>> -> memref<1x128xi32, #tpu.memory_space<vmem>>
      %dma_start3A_100 = tpu.memref_squeeze %dma_start3A_99 : memref<1x128xi32, #tpu.memory_space<vmem>> -> memref<128xi32, #tpu.memory_space<vmem>>
      %dma_start3A_101 = arith.constant 0 : i32
      %dma_start3A_102 = tpu.memref_slice %arg13[%dma_start3A_101] : memref<10240xf32, #tpu.memory_space<vmem_shared>> -> memref<10240xf32, #tpu.memory_space<vmem_shared>>
      tpu.enqueue_indirect_dma source(%arg11 : memref<128xf32, #tpu.memory_space<vmem>>) target(%dma_start3A_102 : memref<10240xf32, #tpu.memory_space<vmem_shared>>) offsets(%dma_start3A_100 : memref<128xi32, #tpu.memory_space<vmem>>) semaphore(%arg16 : memref<!tpu.dma_semaphore, #tpu.memory_space<semaphore_mem>>) {add = true}
      %scan3A_103 = arith.constant 0 : i32
      scf.yield %scan3A_103 : i32
    }
    %scan3A_24 = arith.constant 80 : i32
    %dma_start3A = arith.constant 0 : i32
    %dma_start3A_25 = tpu.memref_slice %arg7[%dma_start3A] : memref<320xi32, #tpu.memory_space<vmem>> -> memref<80xi32, #tpu.memory_space<vmem>>
    %dma_start3A_26 = arith.constant 0 : i32
    %dma_start3A_27 = arith.constant 0 : i32
    %dma_start3A_28 = tpu.memref_slice %arg4[%dma_start3A_26, %dma_start3A_27] : memref<30000x128xf32, #tpu.memory_space<hbm>> -> memref<30000x128xf32, #tpu.memory_space<hbm>>
    tpu.enqueue_indirect_dma source(%dma_start3A_28 : memref<30000x128xf32, #tpu.memory_space<hbm>>) target(%arg9 : memref<80x128xf32, #tpu.memory_space<vmem>>) offsets(%dma_start3A_25 : memref<80xi32, #tpu.memory_space<vmem>>) semaphore(%arg14 : memref<!tpu.dma_semaphore, #tpu.memory_space<semaphore_mem>>)
    %dma_start3A_29 = arith.constant 80 : i32
    %dma_start3A_30 = tpu.memref_slice %arg7[%dma_start3A_29] : memref<320xi32, #tpu.memory_space<vmem>> -> memref<80xi32, #tpu.memory_space<vmem>>
    %dma_start3A_31 = arith.constant 0 : i32
    %dma_start3A_32 = arith.constant 0 : i32
    %dma_start3A_33 = tpu.memref_slice %arg4[%dma_start3A_31, %dma_start3A_32] : memref<30000x128xf32, #tpu.memory_space<hbm>> -> memref<30000x128xf32, #tpu.memory_space<hbm>>
    tpu.enqueue_indirect_dma source(%dma_start3A_33 : memref<30000x128xf32, #tpu.memory_space<hbm>>) target(%arg10 : memref<80x128xf32, #tpu.memory_space<vmem>>) offsets(%dma_start3A_30 : memref<80xi32, #tpu.memory_space<vmem>>) semaphore(%arg15 : memref<!tpu.dma_semaphore, #tpu.memory_space<semaphore_mem>>)
    %dma_wait3A = arith.constant 0 : i32
    %dma_wait3A_34 = arith.constant 0 : i32
    %dma_wait3A_35 = tpu.memref_slice %arg4[%dma_wait3A, %dma_wait3A_34] : memref<30000x128xf32, #tpu.memory_space<hbm>> -> memref<80x128xf32, #tpu.memory_space<hbm>>
    %dma_wait3A_36 = arith.constant 0 : i32
    %dma_wait3A_37 = arith.constant 0 : i32
    %dma_wait3A_38 = tpu.memref_slice %arg4[%dma_wait3A_36, %dma_wait3A_37] : memref<30000x128xf32, #tpu.memory_space<hbm>> -> memref<80x128xf32, #tpu.memory_space<hbm>>
    tpu.wait_dma2 semaphore(%arg14 : memref<!tpu.dma_semaphore, #tpu.memory_space<semaphore_mem>>) src(%dma_wait3A_38 : memref<80x128xf32, #tpu.memory_space<hbm>>) dst(%arg9 : memref<80x128xf32, #tpu.memory_space<vmem>>)
    %mul3A_39 = arith.constant 320 : i32
    %mul3A_40 = arith.muli %add3A, %mul3A_39 : i32
    %add3A_41 = arith.constant 0 : i32
    %add3A_42 = arith.addi %mul3A_40, %add3A_41 : i32
    "tpu.region"() ({
      %run_scoped3A = tpu.sem_alloc : memref<!tpu.dma_semaphore, #tpu.memory_space<semaphore_mem>>
      %dma_start3A_96 = arith.constant 0 : i32
      %dma_start3A_97 = tpu.memref_slice %arg5[%add3A_42, %dma_start3A_96] : memref<10240x128xf32, #tpu.memory_space<hbm>> -> memref<80x128xf32, #tpu.memory_space<hbm>>
      %dma_start3A_98 = arith.constant 0 : i32
      %dma_start3A_99 = tpu.memref_slice %arg5[%add3A_42, %dma_start3A_98] : memref<10240x128xf32, #tpu.memory_space<hbm>> -> memref<80x128xf32, #tpu.memory_space<hbm>>
      tpu.enqueue_dma source(%arg9 : memref<80x128xf32, #tpu.memory_space<vmem>>) target(%dma_start3A_99 : memref<80x128xf32, #tpu.memory_space<hbm>>) target_semaphore(%run_scoped3A : memref<!tpu.dma_semaphore, #tpu.memory_space<semaphore_mem>>)
      %dma_wait3A_100 = arith.constant 0 : i32
      %dma_wait3A_101 = tpu.memref_slice %arg5[%add3A_42, %dma_wait3A_100] : memref<10240x128xf32, #tpu.memory_space<hbm>> -> memref<80x128xf32, #tpu.memory_space<hbm>>
      %dma_wait3A_102 = arith.constant 0 : i32
      %dma_wait3A_103 = tpu.memref_slice %arg5[%add3A_42, %dma_wait3A_102] : memref<10240x128xf32, #tpu.memory_space<hbm>> -> memref<80x128xf32, #tpu.memory_space<hbm>>
      tpu.wait_dma2 semaphore(%run_scoped3A : memref<!tpu.dma_semaphore, #tpu.memory_space<semaphore_mem>>) src(%arg9 : memref<80x128xf32, #tpu.memory_space<vmem>>) dst(%dma_wait3A_103 : memref<80x128xf32, #tpu.memory_space<hbm>>)
      tpu.yield
    }) : () -> ()
    %dma_start3A_43 = arith.constant 160 : i32
    %dma_start3A_44 = tpu.memref_slice %arg7[%dma_start3A_43] : memref<320xi32, #tpu.memory_space<vmem>> -> memref<80xi32, #tpu.memory_space<vmem>>
    %dma_start3A_45 = arith.constant 0 : i32
    %dma_start3A_46 = arith.constant 0 : i32
    %dma_start3A_47 = tpu.memref_slice %arg4[%dma_start3A_45, %dma_start3A_46] : memref<30000x128xf32, #tpu.memory_space<hbm>> -> memref<30000x128xf32, #tpu.memory_space<hbm>>
    tpu.enqueue_indirect_dma source(%dma_start3A_47 : memref<30000x128xf32, #tpu.memory_space<hbm>>) target(%arg9 : memref<80x128xf32, #tpu.memory_space<vmem>>) offsets(%dma_start3A_44 : memref<80xi32, #tpu.memory_space<vmem>>) semaphore(%arg14 : memref<!tpu.dma_semaphore, #tpu.memory_space<semaphore_mem>>)
    %dma_wait3A_48 = arith.constant 0 : i32
    %dma_wait3A_49 = arith.constant 0 : i32
    %dma_wait3A_50 = tpu.memref_slice %arg4[%dma_wait3A_48, %dma_wait3A_49] : memref<30000x128xf32, #tpu.memory_space<hbm>> -> memref<80x128xf32, #tpu.memory_space<hbm>>
    %dma_wait3A_51 = arith.constant 0 : i32
    %dma_wait3A_52 = arith.constant 0 : i32
    %dma_wait3A_53 = tpu.memref_slice %arg4[%dma_wait3A_51, %dma_wait3A_52] : memref<30000x128xf32, #tpu.memory_space<hbm>> -> memref<80x128xf32, #tpu.memory_space<hbm>>
    tpu.wait_dma2 semaphore(%arg15 : memref<!tpu.dma_semaphore, #tpu.memory_space<semaphore_mem>>) src(%dma_wait3A_53 : memref<80x128xf32, #tpu.memory_space<hbm>>) dst(%arg10 : memref<80x128xf32, #tpu.memory_space<vmem>>)
    %mul3A_54 = arith.constant 320 : i32
    %mul3A_55 = arith.muli %add3A, %mul3A_54 : i32
    %add3A_56 = arith.constant 80 : i32
    %add3A_57 = arith.addi %mul3A_55, %add3A_56 : i32
    "tpu.region"() ({
      %run_scoped3A = tpu.sem_alloc : memref<!tpu.dma_semaphore, #tpu.memory_space<semaphore_mem>>
      %dma_start3A_96 = arith.constant 0 : i32
      %dma_start3A_97 = tpu.memref_slice %arg5[%add3A_57, %dma_start3A_96] : memref<10240x128xf32, #tpu.memory_space<hbm>> -> memref<80x128xf32, #tpu.memory_space<hbm>>
      %dma_start3A_98 = arith.constant 0 : i32
      %dma_start3A_99 = tpu.memref_slice %arg5[%add3A_57, %dma_start3A_98] : memref<10240x128xf32, #tpu.memory_space<hbm>> -> memref<80x128xf32, #tpu.memory_space<hbm>>
      tpu.enqueue_dma source(%arg10 : memref<80x128xf32, #tpu.memory_space<vmem>>) target(%dma_start3A_99 : memref<80x128xf32, #tpu.memory_space<hbm>>) target_semaphore(%run_scoped3A : memref<!tpu.dma_semaphore, #tpu.memory_space<semaphore_mem>>)
      %dma_wait3A_100 = arith.constant 0 : i32
      %dma_wait3A_101 = tpu.memref_slice %arg5[%add3A_57, %dma_wait3A_100] : memref<10240x128xf32, #tpu.memory_space<hbm>> -> memref<80x128xf32, #tpu.memory_space<hbm>>
      %dma_wait3A_102 = arith.constant 0 : i32
      %dma_wait3A_103 = tpu.memref_slice %arg5[%add3A_57, %dma_wait3A_102] : memref<10240x128xf32, #tpu.memory_space<hbm>> -> memref<80x128xf32, #tpu.memory_space<hbm>>
      tpu.wait_dma2 semaphore(%run_scoped3A : memref<!tpu.dma_semaphore, #tpu.memory_space<semaphore_mem>>) src(%arg10 : memref<80x128xf32, #tpu.memory_space<vmem>>) dst(%dma_wait3A_103 : memref<80x128xf32, #tpu.memory_space<hbm>>)
      tpu.yield
    }) : () -> ()
    %dma_start3A_58 = arith.constant 240 : i32
    %dma_start3A_59 = tpu.memref_slice %arg7[%dma_start3A_58] : memref<320xi32, #tpu.memory_space<vmem>> -> memref<80xi32, #tpu.memory_space<vmem>>
    %dma_start3A_60 = arith.constant 0 : i32
    %dma_start3A_61 = arith.constant 0 : i32
    %dma_start3A_62 = tpu.memref_slice %arg4[%dma_start3A_60, %dma_start3A_61] : memref<30000x128xf32, #tpu.memory_space<hbm>> -> memref<30000x128xf32, #tpu.memory_space<hbm>>
    tpu.enqueue_indirect_dma source(%dma_start3A_62 : memref<30000x128xf32, #tpu.memory_space<hbm>>) target(%arg10 : memref<80x128xf32, #tpu.memory_space<vmem>>) offsets(%dma_start3A_59 : memref<80xi32, #tpu.memory_space<vmem>>) semaphore(%arg15 : memref<!tpu.dma_semaphore, #tpu.memory_space<semaphore_mem>>)
    %dma_wait3A_63 = arith.constant 0 : i32
    %dma_wait3A_64 = arith.constant 0 : i32
    %dma_wait3A_65 = tpu.memref_slice %arg4[%dma_wait3A_63, %dma_wait3A_64] : memref<30000x128xf32, #tpu.memory_space<hbm>> -> memref<80x128xf32, #tpu.memory_space<hbm>>
    %dma_wait3A_66 = arith.constant 0 : i32
    %dma_wait3A_67 = arith.constant 0 : i32
    %dma_wait3A_68 = tpu.memref_slice %arg4[%dma_wait3A_66, %dma_wait3A_67] : memref<30000x128xf32, #tpu.memory_space<hbm>> -> memref<80x128xf32, #tpu.memory_space<hbm>>
    tpu.wait_dma2 semaphore(%arg14 : memref<!tpu.dma_semaphore, #tpu.memory_space<semaphore_mem>>) src(%dma_wait3A_68 : memref<80x128xf32, #tpu.memory_space<hbm>>) dst(%arg9 : memref<80x128xf32, #tpu.memory_space<vmem>>)
    %mul3A_69 = arith.constant 320 : i32
    %mul3A_70 = arith.muli %add3A, %mul3A_69 : i32
    %add3A_71 = arith.constant 160 : i32
    %add3A_72 = arith.addi %mul3A_70, %add3A_71 : i32
    "tpu.region"() ({
      %run_scoped3A = tpu.sem_alloc : memref<!tpu.dma_semaphore, #tpu.memory_space<semaphore_mem>>
      %dma_start3A_96 = arith.constant 0 : i32
      %dma_start3A_97 = tpu.memref_slice %arg5[%add3A_72, %dma_start3A_96] : memref<10240x128xf32, #tpu.memory_space<hbm>> -> memref<80x128xf32, #tpu.memory_space<hbm>>
      %dma_start3A_98 = arith.constant 0 : i32
      %dma_start3A_99 = tpu.memref_slice %arg5[%add3A_72, %dma_start3A_98] : memref<10240x128xf32, #tpu.memory_space<hbm>> -> memref<80x128xf32, #tpu.memory_space<hbm>>
      tpu.enqueue_dma source(%arg9 : memref<80x128xf32, #tpu.memory_space<vmem>>) target(%dma_start3A_99 : memref<80x128xf32, #tpu.memory_space<hbm>>) target_semaphore(%run_scoped3A : memref<!tpu.dma_semaphore, #tpu.memory_space<semaphore_mem>>)
      %dma_wait3A_100 = arith.constant 0 : i32
      %dma_wait3A_101 = tpu.memref_slice %arg5[%add3A_72, %dma_wait3A_100] : memref<10240x128xf32, #tpu.memory_space<hbm>> -> memref<80x128xf32, #tpu.memory_space<hbm>>
      %dma_wait3A_102 = arith.constant 0 : i32
      %dma_wait3A_103 = tpu.memref_slice %arg5[%add3A_72, %dma_wait3A_102] : memref<10240x128xf32, #tpu.memory_space<hbm>> -> memref<80x128xf32, #tpu.memory_space<hbm>>
      tpu.wait_dma2 semaphore(%run_scoped3A : memref<!tpu.dma_semaphore, #tpu.memory_space<semaphore_mem>>) src(%arg9 : memref<80x128xf32, #tpu.memory_space<vmem>>) dst(%dma_wait3A_103 : memref<80x128xf32, #tpu.memory_space<hbm>>)
      tpu.yield
    }) : () -> ()
    %dma_wait3A_73 = arith.constant 0 : i32
    %dma_wait3A_74 = arith.constant 0 : i32
    %dma_wait3A_75 = tpu.memref_slice %arg4[%dma_wait3A_73, %dma_wait3A_74] : memref<30000x128xf32, #tpu.memory_space<hbm>> -> memref<80x128xf32, #tpu.memory_space<hbm>>
    %dma_wait3A_76 = arith.constant 0 : i32
    %dma_wait3A_77 = arith.constant 0 : i32
    %dma_wait3A_78 = tpu.memref_slice %arg4[%dma_wait3A_76, %dma_wait3A_77] : memref<30000x128xf32, #tpu.memory_space<hbm>> -> memref<80x128xf32, #tpu.memory_space<hbm>>
    tpu.wait_dma2 semaphore(%arg15 : memref<!tpu.dma_semaphore, #tpu.memory_space<semaphore_mem>>) src(%dma_wait3A_78 : memref<80x128xf32, #tpu.memory_space<hbm>>) dst(%arg10 : memref<80x128xf32, #tpu.memory_space<vmem>>)
    %mul3A_79 = arith.constant 320 : i32
    %mul3A_80 = arith.muli %add3A, %mul3A_79 : i32
    %add3A_81 = arith.constant 240 : i32
    %add3A_82 = arith.addi %mul3A_80, %add3A_81 : i32
    "tpu.region"() ({
      %run_scoped3A = tpu.sem_alloc : memref<!tpu.dma_semaphore, #tpu.memory_space<semaphore_mem>>
      %dma_start3A_96 = arith.constant 0 : i32
      %dma_start3A_97 = tpu.memref_slice %arg5[%add3A_82, %dma_start3A_96] : memref<10240x128xf32, #tpu.memory_space<hbm>> -> memref<80x128xf32, #tpu.memory_space<hbm>>
      %dma_start3A_98 = arith.constant 0 : i32
      %dma_start3A_99 = tpu.memref_slice %arg5[%add3A_82, %dma_start3A_98] : memref<10240x128xf32, #tpu.memory_space<hbm>> -> memref<80x128xf32, #tpu.memory_space<hbm>>
      tpu.enqueue_dma source(%arg10 : memref<80x128xf32, #tpu.memory_space<vmem>>) target(%dma_start3A_99 : memref<80x128xf32, #tpu.memory_space<hbm>>) target_semaphore(%run_scoped3A : memref<!tpu.dma_semaphore, #tpu.memory_space<semaphore_mem>>)
      %dma_wait3A_100 = arith.constant 0 : i32
      %dma_wait3A_101 = tpu.memref_slice %arg5[%add3A_82, %dma_wait3A_100] : memref<10240x128xf32, #tpu.memory_space<hbm>> -> memref<80x128xf32, #tpu.memory_space<hbm>>
      %dma_wait3A_102 = arith.constant 0 : i32
      %dma_wait3A_103 = tpu.memref_slice %arg5[%add3A_82, %dma_wait3A_102] : memref<10240x128xf32, #tpu.memory_space<hbm>> -> memref<80x128xf32, #tpu.memory_space<hbm>>
      tpu.wait_dma2 semaphore(%run_scoped3A : memref<!tpu.dma_semaphore, #tpu.memory_space<semaphore_mem>>) src(%arg10 : memref<80x128xf32, #tpu.memory_space<vmem>>) dst(%dma_wait3A_103 : memref<80x128xf32, #tpu.memory_space<hbm>>)
      tpu.yield
    }) : () -> ()
    %dma_wait3A_83 = arith.constant 0 : i32
    %dma_wait3A_84 = arith.constant 0 : i32
    %dma_wait3A_85 = tpu.memref_slice %arg3[%add3A, %dma_wait3A_83, %dma_wait3A_84] : memref<32x80x128xi32, #tpu.memory_space<hbm>> -> memref<1x80x128xi32, #tpu.memory_space<hbm>>
    %dma_wait3A_86 = tpu.memref_squeeze %dma_wait3A_85 : memref<1x80x128xi32, #tpu.memory_space<hbm>> -> memref<80x128xi32, #tpu.memory_space<hbm>>
    %dma_wait3A_87 = arith.constant 0 : i32
    %dma_wait3A_88 = arith.constant 0 : i32
    %dma_wait3A_89 = tpu.memref_slice %arg3[%add3A, %dma_wait3A_87, %dma_wait3A_88] : memref<32x80x128xi32, #tpu.memory_space<hbm>> -> memref<1x80x128xi32, #tpu.memory_space<hbm>>
    %dma_wait3A_90 = tpu.memref_squeeze %dma_wait3A_89 : memref<1x80x128xi32, #tpu.memory_space<hbm>> -> memref<80x128xi32, #tpu.memory_space<hbm>>
    tpu.wait_dma2 semaphore(%arg16 : memref<!tpu.dma_semaphore, #tpu.memory_space<semaphore_mem>>) src(%dma_wait3A_90 : memref<80x128xi32, #tpu.memory_space<hbm>>) dst(%arg8 : memref<80x128xi32, #tpu.memory_space<vmem>>)
    %barrier3A_91 = arith.constant 0 : index
    tpu.barrier barrier_id(%barrier3A_91)
    %mul3A_92 = arith.constant 640 : i32
    %mul3A_93 = arith.muli %arg1, %mul3A_92 : i32
    %mul3A_94 = arith.constant 640 : i32
    %mul3A_95 = arith.muli %arg1, %mul3A_94 : i32
    "tpu.region"() ({
      %run_scoped3A = tpu.sem_alloc : memref<!tpu.dma_semaphore, #tpu.memory_space<semaphore_mem>>
      %dma_start3A_96 = tpu.memref_slice %arg6[%arg0, %mul3A_95] : memref<2x10240xf32, #tpu.memory_space<hbm>> -> memref<1x640xf32, #tpu.memory_space<hbm>>
      %dma_start3A_97 = tpu.memref_squeeze %dma_start3A_96 : memref<1x640xf32, #tpu.memory_space<hbm>> -> memref<640xf32, #tpu.memory_space<hbm>>
      %dma_start3A_98 = tpu.memref_slice %arg13[%mul3A_93] : memref<10240xf32, #tpu.memory_space<vmem_shared>> -> memref<640xf32, #tpu.memory_space<vmem_shared>>
      tpu.enqueue_dma source(%dma_start3A_98 : memref<640xf32, #tpu.memory_space<vmem_shared>>) target(%dma_start3A_97 : memref<640xf32, #tpu.memory_space<hbm>>) target_semaphore(%run_scoped3A : memref<!tpu.dma_semaphore, #tpu.memory_space<semaphore_mem>>)
      %dma_wait3A_99 = tpu.memref_slice %arg6[%arg0, %mul3A_95] : memref<2x10240xf32, #tpu.memory_space<hbm>> -> memref<1x640xf32, #tpu.memory_space<hbm>>
      %dma_wait3A_100 = tpu.memref_squeeze %dma_wait3A_99 : memref<1x640xf32, #tpu.memory_space<hbm>> -> memref<640xf32, #tpu.memory_space<hbm>>
      %dma_wait3A_101 = tpu.memref_slice %arg13[%mul3A_93] : memref<10240xf32, #tpu.memory_space<vmem_shared>> -> memref<640xf32, #tpu.memory_space<vmem_shared>>
      tpu.wait_dma2 semaphore(%run_scoped3A : memref<!tpu.dma_semaphore, #tpu.memory_space<semaphore_mem>>) src(%dma_wait3A_101 : memref<640xf32, #tpu.memory_space<vmem_shared>>) dst(%dma_wait3A_100 : memref<640xf32, #tpu.memory_space<hbm>>)
      tpu.yield
    }) : () -> ()
    return
  }
}

module attributes {stable_mosaic.version = 14 : i64} {
  func.func @tc_matmul_scale(%arg0: i32, %arg1: memref<1024x128xf32, #tpu.memory_space<vmem>>, %arg2: memref<128x128xf32, #tpu.memory_space<vmem>>, %arg3: memref<1024x2xf32, #tpu.memory_space<vmem>>, %arg4: memref<1024x128xf32, #tpu.memory_space<vmem>>) attributes {dimension_semantics = [#tpu.dimension_semantics<arbitrary>], iteration_bounds = array<i64: 10>, scalar_prefetch = 0 : i64, scratch_operands = 0 : i64, tpu.core_type = #tpu.core_type<tc>, window_params = [{transform_indices = @transform_0, window_bounds = array<i64: 1024, 128>}, {pipeline_mode = #tpu.pipeline_mode<synchronous>, transform_indices = @transform_1, window_bounds = array<i64: 128, 128>}, {transform_indices = @transform_2, window_bounds = array<i64: 1024, 2>}, {transform_indices = @transform_3, window_bounds = array<i64: 1024, 128>}]} {
    %get3A = arith.constant 0 : index
    %get3A_0 = arith.constant 0 : index
    %get3A_1 = vector.load %arg3[%get3A, %get3A_0] : memref<1024x2xf32, #tpu.memory_space<vmem>>, vector<1024x2xf32>
    %slice3A = vector.extract_strided_slice %get3A_1 {offsets = [0, 0], sizes = [1024, 1], strides = [1, 1]} : vector<1024x2xf32> to vector<1024x1xf32>
    %slice3A_2 = vector.extract_strided_slice %get3A_1 {offsets = [0, 1], sizes = [1024, 1], strides = [1, 1]} : vector<1024x2xf32> to vector<1024x1xf32>
    %add3A = arith.addf %slice3A, %slice3A_2 : vector<1024x1xf32>
    %add3A_3 = arith.constant 1.000000e+00 : f32
    %add3A_4 = vector.broadcast %add3A_3 : f32 to vector<1024x1xf32>
    %add3A_5 = arith.addf %add3A, %add3A_4 : vector<1024x1xf32>
    %rsqrt3A = math.rsqrt %add3A_5 : vector<1024x1xf32>
    %get3A_6 = arith.constant 0 : index
    %get3A_7 = arith.constant 0 : index
    %get3A_8 = vector.load %arg1[%get3A_6, %get3A_7] : memref<1024x128xf32, #tpu.memory_space<vmem>>, vector<1024x128xf32>
    %get3A_9 = arith.constant 0 : index
    %get3A_10 = arith.constant 0 : index
    %get3A_11 = vector.load %arg2[%get3A_9, %get3A_10] : memref<128x128xf32, #tpu.memory_space<vmem>>, vector<128x128xf32>
    %dot_general3A = arith.constant dense<0.000000e+00> : vector<1024x128xf32>
    %dot_general3A_12 = tpu.matmul %get3A_8, %get3A_11, %dot_general3A {dimension_numbers = #tpu.dot_dimension_numbers<[1], [0], [0], [1], [0, 0, 1, 1], [], []>, transpose_lhs_hint = false} : vector<1024x128xf32>, vector<128x128xf32>, vector<1024x128xf32> -> vector<1024x128xf32>
    %mul3A = vector.broadcast %rsqrt3A : vector<1024x1xf32> to vector<1024x128xf32>
    %mul3A_13 = arith.mulf %dot_general3A_12, %mul3A : vector<1024x128xf32>
    %swap3A = arith.constant 0 : index
    %swap3A_14 = arith.constant 0 : index
    %swap3A_15 = vector.load %arg4[%swap3A, %swap3A_14] : memref<1024x128xf32, #tpu.memory_space<vmem>>, vector<1024x128xf32>
    tpu.vector_store %arg4[%swap3A, %swap3A_14], %mul3A_13 {strides = array<i32>} : memref<1024x128xf32, #tpu.memory_space<vmem>>, vector<1024x128xf32>,
    return
  }
  func.func @transform_0(%arg0: i32) -> (i32, i32) {
    %c0_i32 = arith.constant 0 : i32
    %c0_i32_0 = arith.constant 0 : i32
    return %arg0, %c0_i32 : i32, i32
  }
  func.func @transform_1(%arg0: i32) -> (i32, i32) {
    %c0_i32 = arith.constant 0 : i32
    %c0_i32_0 = arith.constant 0 : i32
    %c0_i32_1 = arith.constant 0 : i32
    return %c0_i32, %c0_i32_0 : i32, i32
  }
  func.func @transform_2(%arg0: i32) -> (i32, i32) {
    %c0_i32 = arith.constant 0 : i32
    %c0_i32_0 = arith.constant 0 : i32
    return %arg0, %c0_i32 : i32, i32
  }
  func.func @transform_3(%arg0: i32) -> (i32, i32) {
    %c0_i32 = arith.constant 0 : i32
    %c0_i32_0 = arith.constant 0 : i32
    return %arg0, %c0_i32 : i32, i32
  }
}

module attributes {stable_mosaic.version = 14 : i64} {
  func.func @tc_combine(%arg0: i32, %arg1: memref<1000x128xf32, #tpu.memory_space<vmem>>, %arg2: memref<1000x128xf32, #tpu.memory_space<vmem>>, %arg3: memref<1000x128xf32, #tpu.memory_space<vmem>>, %arg4: memref<1000x2xf32, #tpu.memory_space<vmem>>, %arg5: memref<1x128xf32, #tpu.memory_space<vmem>>, %arg6: memref<1000x128xf32, #tpu.memory_space<vmem>>) attributes {dimension_semantics = [#tpu.dimension_semantics<arbitrary>], iteration_bounds = array<i64: 10>, scalar_prefetch = 0 : i64, scratch_operands = 0 : i64, tpu.core_type = #tpu.core_type<tc>, window_params = [{transform_indices = @transform_0, window_bounds = array<i64: 1000, 128>}, {transform_indices = @transform_1, window_bounds = array<i64: 1000, 128>}, {transform_indices = @transform_2, window_bounds = array<i64: 1000, 128>}, {transform_indices = @transform_3, window_bounds = array<i64: 1000, 2>}, {pipeline_mode = #tpu.pipeline_mode<synchronous>, transform_indices = @transform_4, window_bounds = array<i64: 1, 128>}, {transform_indices = @transform_5, window_bounds = array<i64: 1000, 128>}]} {
    %get3A = arith.constant 0 : index
    %get3A_0 = arith.constant 0 : index
    %get3A_1 = vector.load %arg4[%get3A, %get3A_0] : memref<1000x2xf32, #tpu.memory_space<vmem>>, vector<1000x2xf32>
    %slice3A = vector.extract_strided_slice %get3A_1 {offsets = [0, 0], sizes = [1000, 1], strides = [1, 1]} : vector<1000x2xf32> to vector<1000x1xf32>
    %slice3A_2 = vector.extract_strided_slice %get3A_1 {offsets = [0, 1], sizes = [1000, 1], strides = [1, 1]} : vector<1000x2xf32> to vector<1000x1xf32>
    %add3A = arith.addf %slice3A, %slice3A_2 : vector<1000x1xf32>
    %add3A_3 = arith.constant 1.000000e+00 : f32
    %add3A_4 = vector.broadcast %add3A_3 : f32 to vector<1000x1xf32>
    %add3A_5 = arith.addf %add3A, %add3A_4 : vector<1000x1xf32>
    %rsqrt3A = math.rsqrt %add3A_5 : vector<1000x1xf32>
    %get3A_6 = arith.constant 0 : index
    %get3A_7 = arith.constant 0 : index
    %get3A_8 = vector.load %arg1[%get3A_6, %get3A_7] : memref<1000x128xf32, #tpu.memory_space<vmem>>, vector<1000x128xf32>
    %get3A_9 = arith.constant 0 : index
    %get3A_10 = arith.constant 0 : index
    %get3A_11 = vector.load %arg2[%get3A_9, %get3A_10] : memref<1000x128xf32, #tpu.memory_space<vmem>>, vector<1000x128xf32>
    %add3A_12 = arith.addf %get3A_8, %get3A_11 : vector<1000x128xf32>
    %get3A_13 = arith.constant 0 : index
    %get3A_14 = arith.constant 0 : index
    %get3A_15 = vector.load %arg3[%get3A_13, %get3A_14] : memref<1000x128xf32, #tpu.memory_space<vmem>>, vector<1000x128xf32>
    %add3A_16 = arith.addf %add3A_12, %get3A_15 : vector<1000x128xf32>
    %mul3A = vector.broadcast %rsqrt3A : vector<1000x1xf32> to vector<1000x128xf32>
    %mul3A_17 = arith.mulf %add3A_16, %mul3A : vector<1000x128xf32>
    %get3A_18 = arith.constant 0 : index
    %get3A_19 = arith.constant 0 : index
    %get3A_20 = vector.load %arg5[%get3A_18, %get3A_19] : memref<1x128xf32, #tpu.memory_space<vmem>>, vector<1x128xf32>
    %add3A_21 = vector.broadcast %get3A_20 : vector<1x128xf32> to vector<1000x128xf32>
    %add3A_22 = arith.addf %mul3A_17, %add3A_21 : vector<1000x128xf32>
    %max3A = arith.constant 0.000000e+00 : f32
    %max3A_23 = vector.broadcast %max3A : f32 to vector<1000x128xf32>
    %max3A_24 = arith.maximumf %add3A_22, %max3A_23 : vector<1000x128xf32>
    %swap3A = arith.constant 0 : index
    %swap3A_25 = arith.constant 0 : index
    %swap3A_26 = vector.load %arg6[%swap3A, %swap3A_25] : memref<1000x128xf32, #tpu.memory_space<vmem>>, vector<1000x128xf32>
    tpu.vector_store %arg6[%swap3A, %swap3A_25], %max3A_24 {strides = array<i32>} : memref<1000x128xf32, #tpu.memory_space<vmem>>, vector<1000x128xf32>,
    return
  }
  func.func @transform_0(%arg0: i32) -> (i32, i32) {
    %c0_i32 = arith.constant 0 : i32
    %c0_i32_0 = arith.constant 0 : i32
    return %arg0, %c0_i32 : i32, i32
  }
  func.func @transform_1(%arg0: i32) -> (i32, i32) {
    %c0_i32 = arith.constant 0 : i32
    %c0_i32_0 = arith.constant 0 : i32
    return %arg0, %c0_i32 : i32, i32
  }
  func.func @transform_2(%arg0: i32) -> (i32, i32) {
    %c0_i32 = arith.constant 0 : i32
    %c0_i32_0 = arith.constant 0 : i32
    return %arg0, %c0_i32 : i32, i32
  }
  func.func @transform_3(%arg0: i32) -> (i32, i32) {
    %c0_i32 = arith.constant 0 : i32
    %c0_i32_0 = arith.constant 0 : i32
    return %arg0, %c0_i32 : i32, i32
  }
  func.func @transform_4(%arg0: i32) -> (i32, i32) {
    %c0_i32 = arith.constant 0 : i32
    %c0_i32_0 = arith.constant 0 : i32
    %c0_i32_1 = arith.constant 0 : i32
    return %c0_i32, %c0_i32_0 : i32, i32
  }
  func.func @transform_5(%arg0: i32) -> (i32, i32) {
    %c0_i32 = arith.constant 0 : i32
    %c0_i32_0 = arith.constant 0 : i32
    return %arg0, %c0_i32 : i32, i32
  }
}

</mosaic_0001>

<sc_bundles>
// kernel: kernel.6.cloned.1.call-start
scs
__scs_entry_jumppad:
0x0: {  	(pc) =	sbr.rel $0x88, $3  }
0x1: {  	(tag) =	ssettag $0x0;
	lr =	simm.s32 $0x1  }
0x2: {  	[smem:$0x3F9C] =	sst lr;
	_ =	strace $0xD0000000  }
0x3: {  	_ = 	snop  }
0x4: {  	_ = 	snop  }
0x5: {  	_ = 	snop  }
0x6: {  	_ = 	snop  }
0x7: {  	_ = 	snop  }
__scs_overlays_trampoline_lowered:
0x8: {  	[smem:$0x3FAB] =	sst s0  }
0x9: {  	[smem:$0x3FAC] =	sst s1  }
0xa: {  	[smem:$0x3FAD] =	sst s2  }
0xb: {  	[smem:$0x3FAE] =	sst s3  }
0xc: {  	[smem:$0x3FAF] =	sst s4  }
0xd: {  	[smem:$0x3FB0] =	sst s5  }
0xe: {  	[smem:$0x3FB1] =	sst s6  }
0xf: {  	[smem:$0x3FB2] =	sst s7  }
0x10: {  	[smem:$0x3FB3] =	sst s8  }
0x11: {  	[smem:$0x3FB4] =	sst s9;
	s0 =	simm.s32 @!p0 $0x0  }
0x12: {  	s1 =	sld [smem:$0x3F9A];
	s0 =	simm.s32 @p0 $0x1  }
0x13: {  	[smem:$0x3FB5] =	sst s0;
	s0 =	simm.s32 @!p1 $0x0  }
0x14: {  	s2 =	sld [smem:$0x3F99];
	s0 =	simm.s32 @p1 $0x1  }
0x15: {  	[smem:$0x3FB6] =	sst s0;
	s0 =	simm.s32 @!p2 $0x0  }
0x16: {  	s3 =	sld [smem:$0x3FDB];
	s0 =	simm.s32 @p2 $0x1  }
0x17: {  	s4 =	simm.s32 $0x1BF5;
	[smem:$0x3FB8] =	sst s0  }
0x18: {  	s0 =	sld [smem:$0x3F9B];
	_ =	swait.ge [sflag:s4], $0x0  }
0x19: {  	s7 =	sld [smem:$0x3F9C]  }
0x1a: {  	s8 =	sadd.s32 $0xFFFFE003, lr  }
0x1b: {  	s9 =	sadd.s32 $0xFFFFFEF7, lr;
	s5 =	simm.s32 $0xFFFFFFFF;
	p2 =	slt.u32 s8, $0xFFFFF086  }
0x1c: {  	p1 =	slt.u32 s9, $0xF7A;
	s5 =	simm.s32 @!p2 $0x0  }
0x1d: {  	s5 =	simm.s32 @p1 $0x1;
	p0 =	seq.s32 s7, s2  }
0x1e: {  	s7 =	smul.u32 @!p0 $0xF7A, s2;
	p2 =	seq.s32 @!p0 s5, $0x0  }
0x1f: {  	s9 =	smul.u32 $0xF7A, s1;
	s8 =	simm.s32 @!p0 $0x1BF5;
	p2 =	por !p2, p0  }
0x20: {  	[sflag:s8] =	ssyncset.s32 @!p0 $0xFFFFF086;
	s6 =	sadd.s32 @!p0 s3, s7;
	s7 =	simm.s32 @!p0 $0x108  }
0x21: {  	s3 =	sadd.s32 s3, s9;
	s6 =	sadd.s32 @!p0 $0x88, s6;
	s7 =	simm.s32 @p2 $0x1082  }
0x22: {  	[simem:s7], [sflag:s8] =	dma.local @!p0 [hbm:s6], $0xF7A  }
0x23: {  	s9 =	sor.u32 $0xD0000000, s2;
	s6 =	simm.s32 $0x108;
	_ =	swait.ge @!p0 [sflag:s8], $0x0  }
0x24: {  	s3 =	sadd.s32 $0x88, s3;
	s6 =	simm.s32 @!p1 $0x1082;
	[sflag:s4] =	ssyncset.s32 $0xFFFFF086  }
0x25: {  	[simem:s6], [sflag:s4] =	dma.local [hbm:s3], $0xF7A  }
0x26: {  	[smem:$0x3F9C] =	sst s1;
	(tag) =	ssettag s2;
	_ =	strace s9  }
0x27: {  	s1 =	sld [smem:$0x3FAC]  }
0x28: {  	s2 =	sld [smem:$0x3FAD]  }
0x29: {  	s4 =	sld [smem:$0x3FAF]  }
0x2a: {  	p0 =	seq.s32 s5, $0x0;
	s5 =	sld [smem:$0x3FB0]  }
0x2b: {  	s6 =	sld [smem:$0x3FB1]  }
0x2c: {  	s7 =	sld [smem:$0x3FB2]  }
0x2d: {  	s3 =	simm.s32 $0x108;
	s8 =	sld [smem:$0x3FB3]  }
0x2e: {  	s3 =	simm.s32 @!p0 $0x1082;
	s9 =	sld [smem:$0x3FB4]  }
0x2f: {  	lr =	sadd.s32 s0, s3;
	s0 =	sld [smem:$0x3FAB]  }
0x30: {  	s3 =	sld [smem:$0x3FAE]  }
0x31: {  	[smem:$0x3FB7] =	sst s10  }
0x32: {  	s10 =	sld [smem:$0x3FB5];
	_ =	sdelay $0x3  }
0x33: {  	p0 =	seq.s32 s10, $0x1;
	s10 =	sld [smem:$0x3FB7];
	_ =	sdelay $0x3  }
0x34: {  	[smem:$0x3FB7] =	sst s10  }
0x35: {  	s10 =	sld [smem:$0x3FB6];
	_ =	sdelay $0x3  }
0x36: {  	p1 =	seq.s32 s10, $0x1;
	s10 =	sld [smem:$0x3FB7];
	_ =	sdelay $0x3  }
0x37: {  	[smem:$0x3FB7] =	sst s10  }
0x38: {  	s10 =	sld [smem:$0x3FB8]  }
0x39: {  	_ = 	snop;
	(pc) =	sbr.ind lr, $3  }
0x3a: {  	_ = 	snop  }
0x3b: {  	_ = 	snop  }
0x3c: {  	p2 =	seq.s32 s10, $0x1;
	s10 =	sld [smem:$0x3FB7]  }
0x3d: {  	_ =	shalt  }
0x3e: {  	_ =	shalt  }
0x3f: {  	_ =	shalt  }
0x40: {  	_ =	shalt  }
0x41: {  	_ =	shalt  }
0x42: {  	_ =	shalt  }
0x43: {  	_ =	shalt  }
0x44: {  	_ =	shalt  }
0x45: {  	_ =	shalt  }
0x46: {  	_ =	shalt  }
0x47: {  	_ =	shalt  }
0x48: {  	_ =	shalt  }
0x49: {  	_ =	shalt  }
0x4a: {  	_ =	shalt  }
0x4b: {  	_ =	shalt  }
0x4c: {  	_ =	shalt  }
0x4d: {  	_ =	shalt  }
0x4e: {  	_ =	shalt  }
0x4f: {  	_ =	shalt  }
0x50: {  	_ =	shalt  }
0x51: {  	_ =	shalt  }
0x52: {  	_ =	shalt  }
0x53: {  	_ =	shalt  }
0x54: {  	_ =	shalt  }
0x55: {  	_ =	shalt  }
0x56: {  	_ =	shalt  }
0x57: {  	_ =	shalt  }
0x58: {  	_ =	shalt  }
0x59: {  	_ =	shalt  }
0x5a: {  	_ =	shalt  }
0x5b: {  	_ =	shalt  }
0x5c: {  	_ =	shalt  }
0x5d: {  	_ =	shalt  }
0x5e: {  	_ =	shalt  }
0x5f: {  	_ =	shalt  }
0x60: {  	_ =	shalt  }
0x61: {  	_ =	shalt  }
0x62: {  	_ =	shalt  }
0x63: {  	_ =	shalt  }
0x64: {  	_ =	shalt  }
0x65: {  	_ =	shalt  }
0x66: {  	_ =	shalt  }
0x67: {  	_ =	shalt  }
0x68: {  	_ =	shalt  }
0x69: {  	_ =	shalt  }
0x6a: {  	_ =	shalt  }
0x6b: {  	_ =	shalt  }
0x6c: {  	_ =	shalt  }
0x6d: {  	_ =	shalt  }
0x6e: {  	_ =	shalt  }
0x6f: {  	_ =	shalt  }
0x70: {  	_ =	shalt  }
0x71: {  	_ =	shalt  }
0x72: {  	_ =	shalt  }
0x73: {  	_ =	shalt  }
0x74: {  	_ =	shalt  }
0x75: {  	_ =	shalt  }
0x76: {  	_ =	shalt  }
0x77: {  	_ =	shalt  }
0x78: {  	_ =	shalt  }
0x79: {  	_ =	shalt  }
0x7a: {  	_ =	shalt  }
0x7b: {  	_ =	shalt  }
0x7c: {  	_ =	shalt  }
0x7d: {  	_ =	shalt  }
0x7e: {  	_ =	shalt  }
0x7f: {  	_ =	shalt  }
0x80: {  	_ =	shalt  }
0x81: {  	_ =	shalt  }
0x82: {  	_ =	shalt  }
0x83: {  	_ =	shalt  }
0x84: {  	_ =	shalt  }
0x85: {  	_ =	shalt  }
0x86: {  	_ =	shalt  }
0x87: {  	_ =	shalt  }
.Lfunc_end0:
.L_simem_size_0:
called_computation_lowered:
.L_overlay_start_0:
0x88: {  	s2 =	sld [smem:$0x3FD9]  }
0x89: {  	s3 =	sld [smem:$0x3FFE];
	_ =	sdelay $0x1  }
0x8a: {  	s1 =	srdreg.scid  }
0x8b: {  	s0 =	sand.u32 $0x1, s1  }
0x8c: {  	s17 =	sshll.u32 s0, $0xA;
	s2 =	sadd.s32 s3, s2  }
0x8d: {  	s2 =	sadd.s32 s2, s17  }
0x8e: {  	[smem:$0x3FC3] =	sst s2  }
0x8f: {  	_ = 	snop  }
0x90: {  	s2 =	sld [smem:$0x3FC7]  }
0x91: {  	s18 =	sld [smem:$0x3FD0];
	(tm) =	ssettm $0x1  }
0x92: {  	s4 =	sld [smem:$0x3FFB];
	_ =	sdelay $0x3  }
0x93: {  	_ =	strace s4  }
0x94: {  	s4 =	sld [smem:$0x3FFC];
	_ =	sdelay $0x3  }
0x95: {  	_ =	strace s4  }
0x96: {  	s4 =	sld [smem:$0x3FFD];
	_ =	sdelay $0x3  }
0x97: {  	_ =	strace s4  }
0x98: {  	_ =	strace $0x8FFFFFFF  }
0x99: {  	s19 =	sld [smem:$0x3FDB];
	_ =	sdelay $0x1  }
0x9a: {  	s5 =	simm.s32 $_scs_section_size  }
0x9b: {  	s6 =	simm.s32 $_size__tile_overlayer_lowered;
	s7 =	simm.s32 $_tile_overlayer_lowered  }
0x9c: {  	s22 =	simm.s32 $0x1BFF;
	s21 =	sshll.u32 s7, $0x1;
	s4 =	sadd.s32 s5, s19  }
0x9d: {  	s8 =	simm.s32 $0x0;
	s20 =	sshll.u32 s6, $0x1;
	s6 =	sadd.s32 s21, s4  }
0x9e: {  	[timem:s8], [sflag:s22] =	dma.local [hbm:s6], s20  }
0x9f: {  	_ =	swait.ge [sflag:s22], s20  }
0xa0: {  	s5 =	ssub.s32 $0x0, s20;
	[sflag:s22] =	ssyncset.done $0x0  }
0xa1: {  	[sflag:s22] =	ssyncadd.s32 s5;
	_ =	sdelay $0x1  }
0xa2: {  	s23 =	simm.s32 $0x1B8B  }
0xa3: {  	_ =	swait.ge [sflag:s23], $0x1  }
0xa4: {  	[sflag:s23] =	ssyncset.done $0x0  }
0xa5: {  	s25 =	simm.s32 $0x1B8E;
	s24 =	sld [smem:$0x3FFE];
	[sflag:s23] =	ssyncadd.s32 $0xFFFFFFFF  }
0xa6: {  	s26 =	simm.s32 $execute0_lowered;
	[smem:$0x3FD2] =	sst s25  }
0xa7: {  	s6 =	sshll.u32 s26, $0x1;
	_ =	strace $0x80000046;
	[dreg:$0x1] =	wrdreg $0xFFFFFFFF  }
0xa8: {  	s28 =	simm.s32 $_size_execute0_lowered;
	s4 =	sadd.s32 s4, s6;
	[dreg:$0x0] =	wrdreg $0x0  }
0xa9: {  	s6 =	sshll.u32 s28, $0x1;
	[dreg:$0x2] =	wrdreg s4  }
0xaa: {  	[dreg:$0x3] =	wrdreg s6  }
0xab: {  	[dreg:$0x4] =	wrdreg $0xC0  }
0xac: {  	_ =	task [dreg:s8], $0x5FFFF  }
0xad: {  	[dreg:$0x1] =	wrdreg $0xFFFFFFFF  }
0xae: {  	[dreg:$0x0] =	wrdreg $0x60  }
0xaf: {  	[dreg:$0x2] =	wrdreg s24  }
0xb0: {  	[dreg:$0x3] =	wrdreg s18  }
0xb1: {  	[dreg:$0x4] =	wrdreg s2  }
0xb2: {  	[dreg:$0x5] =	wrdreg $0x7C800  }
0xb3: {  	[dreg:$0x6] =	wrdreg $0x9  }
0xb4: {  	_ =	task.clear_ibuf [dreg:s8], $0x7FFFF;
	_ =	strace $0x90000046  }
0xb5: {  	s29 =	simm.s32 $0x9;
	_ =	strace $0x80000048  }
0xb6: {  	_ =	swait.ge [sflag:s29], $0x1  }
0xb7: {  	[sflag:s29] =	ssyncadd.s32 $0xFFFFFFFF  }
0xb8: {  	_ =	strace $0x90000048  }
0xb9: {  	_ =	sfence  }
0xba: {  	s30 =	sld [smem:$0x0];
	_ =	sdelay $0x2  }
0xbb: {  	s31 =	sshll.u32 s1, $0xD;
	s1 =	sshrl.u32 s1, $0x2  }
0xbc: {  	s3 =	sand.u32 $0x4000, s31;
	s1 =	sadd.s32 s1, s30  }
0xbd: {  	s0 =	sor.u32 s3, s0;
	s1 =	sshll.u32 s1, $0x11  }
0xbe: {  	s0 =	sor.u32 s1, s0  }
0xbf: {  	s0 =	sadd.s32 $0x8F2B, s0  }
0xc0: {  	[sflag:s0] =	ssyncadd.remote.s32 $0x1  }
0xc1: {  	_ =	sfence.sel $0xFFFF  }
0xc2: {  	[dreg:$0x0] =	wrdreg $0xFFFFFFFF;
	(pc) =	sbr.abs _section_cstart, $3  }
0xc3: {  	[dreg:$0x1] =	wrdreg $0xFFFFFFFF  }
0xc4: {  	_ =	task.clear_ibuf [dreg:s8], $0x2FFFF;
	_ =	strace $0x9FFFFFFF  }
0xc5: {  	(tm) =	ssettm $0x7FFFFFFF  }
tec
execute0_lowered:
.L_overlay_start_1:
0x0: {  	(tag) =	ssettag $0x1  }
0x1: {  	s1 =	rddreg [dreg:$0x0]  }
0x2: {  	s7 =	rddreg [dreg:$0x1]  }
0x3: {  	s3 =	srdreg.scid;
	s0 =	stileid.u32  }
0x4: {  	s2 =	rddreg [dreg:$0x2];
	s15 =	simm.s32 $0x4;
	s16 =	simm.s32 $0x180  }
0x5: {  	s17 =	simm.s32 $0x80;
	s18 =	simm.s32 $0x7980;
	s19 =	simm.s32 $0x50  }
0x6: {  	s20 =	simm.s32 $0x2980;
	s21 =	simm.s32 $0x5180;
	s22 =	simm.s32 $0x1  }
0x7: {  	s28 =	simm.s32 $0x20;
	s29 =	simm.s32 $0x10;
	s30 =	simm.s32 $0x0  }
0x8: {  	s5 =	sand.u32 $0x1, s3;
	s4 =	sshll.u32 s0, $0x1;
	s9 =	smul.u32 $0x500, s0  }
0x9: {  	s3 =	rddreg [dreg:$0x3];
	s23 =	smul.u32 $0xA00, s0;
	s6 =	sor.u32 s5, s4  }
0xa: {  	s11 =	sadd.s32 $0x2200, s1;
	s4 =	simm.s32 $0x0;
	s8 =	smul.u32 $0x28, s6  }
0xb: {  	s10 =	sshll.u32 s5, $0x7;
	s5 =	ssub.s32 $0x2, s5;
	s12 =	smul.u32 $0x500, s6  }
0xc: {  	[smem:$0x7FF] =	sst s4;
	s9 =	sor.u32 s10, s9;
	s13 =	smul.u32 $0xA000, s6  }
0xd: {  	s24 =	sshrl.u32 s5, $0x1;
	s25 =	sshrl.u32 s23, $0x2;
	s26 =	smul.u32 $0x1400, s6  }
0xe: {  	s23 =	simm.s32 $0xA0;
	_ =	strace $0x80000047;
	s9 =	sshrl.u32 s9, $0x3  }
0xf: {  	s14 =	ssub.s32 s5, s24;
	s5 =	sadd.s32 s25, s3;
	s24 =	simm.s32 $0x2  }
0x10: {  	s25 =	simm.s32 $0xF0;
	s8 =	sadd.s32 s8, s1;
	s1 =	sadd.s32 s9, s1  }
0x11: {  	s31 =	sshrl.u32 s13, $0x3;
	s7 =	sadd.s32 s7, s12;
	s13 =	smax.u32 s14, $0x1  }
0x12: {  	s14 =	simm.s32 $0x7A00;
	s6 =	sadd.s32 $0x1200, s8;
	s8 =	sadd.s32 s11, s26  }
0x13: {  	s11 =	sadd.s32 s11, s31;
	s12 =	sadd.s32 $0x1800, s1;
	s26 =	simm.s32 $0x3  }
0x14: {  	v0 =	vimm.f32 $0.0e+00;
	v1 =	vimm.f32 $1.000000000e+00;
	s9 =	sadd.s32 $0x500, s11;
	s10 =	sadd.s32 $0xA00, s11;
	s11 =	sadd.s32 $0xF00, s11  }
.LBB2_1:
0x15: {  	[tilespmem:$0x7A00] =	vst v0  }
0x16: {  	[tilespmem:$0x7A10] =	vst v0  }
0x17: {  	[tilespmem:$0x7A20] =	vst v0  }
0x18: {  	[tilespmem:$0x7A30] =	vst v0  }
0x19: {  	[tilespmem:$0x7A40] =	vst v0  }
0x1a: {  	[tilespmem:$0x7A50] =	vst v0  }
0x1b: {  	[tilespmem:$0x7A60] =	vst v0  }
0x1c: {  	[tilespmem:$0x7A70] =	vst v0  }
0x1d: {  	[tilespmem:$0x7A80] =	vst v0  }
0x1e: {  	[tilespmem:$0x7A90] =	vst v0  }
0x1f: {  	[tilespmem:$0x7AA0] =	vst v0  }
0x20: {  	[tilespmem:$0x7AB0] =	vst v0  }
0x21: {  	[tilespmem:$0x7AC0] =	vst v0  }
0x22: {  	[tilespmem:$0x7AD0] =	vst v0  }
0x23: {  	[tilespmem:$0x7AE0] =	vst v0  }
0x24: {  	[tilespmem:$0x7AF0] =	vst v0  }
0x25: {  	[tilespmem:$0x7B00] =	vst v0  }
0x26: {  	[tilespmem:$0x7B10] =	vst v0  }
0x27: {  	[tilespmem:$0x7B20] =	vst v0  }
0x28: {  	[tilespmem:$0x7B30] =	vst v0  }
0x29: {  	[tilespmem:$0x7B40] =	vst v0  }
0x2a: {  	[tilespmem:$0x7B50] =	vst v0  }
0x2b: {  	[tilespmem:$0x7B60] =	vst v0  }
0x2c: {  	[tilespmem:$0x7B70] =	vst v0  }
0x2d: {  	[tilespmem:$0x7B80] =	vst v0  }
0x2e: {  	[tilespmem:$0x7B90] =	vst v0  }
0x2f: {  	[tilespmem:$0x7BA0] =	vst v0  }
0x30: {  	[tilespmem:$0x7BB0] =	vst v0  }
0x31: {  	[tilespmem:$0x7BC0] =	vst v0  }
0x32: {  	[tilespmem:$0x7BD0] =	vst v0  }
0x33: {  	[tilespmem:$0x7BE0] =	vst v0  }
0x34: {  	[tilespmem:$0x7BF0] =	vst v0  }
0x35: {  	[tilespmem:$0x7C00] =	vst v0  }
0x36: {  	[tilespmem:$0x7C10] =	vst v0  }
0x37: {  	[tilespmem:$0x7C20] =	vst v0  }
0x38: {  	[tilespmem:$0x7C30] =	vst v0  }
0x39: {  	[tilespmem:$0x7C40] =	vst v0  }
0x3a: {  	[tilespmem:$0x7C50] =	vst v0  }
0x3b: {  	[tilespmem:$0x7C60] =	vst v0  }
0x3c: {  	[tilespmem:$0x7C70] =	vst v0  }
0x3d: {  	[tilespmem:$0x7980] =	vst v1  }
0x3e: {  	[tilespmem:$0x7990] =	vst v1  }
0x3f: {  	[tilespmem:$0x79A0] =	vst v1  }
0x40: {  	[tilespmem:$0x79B0] =	vst v1  }
0x41: {  	[tilespmem:$0x79C0] =	vst v1  }
0x42: {  	[tilespmem:$0x79D0] =	vst v1  }
0x43: {  	[tilespmem:$0x79E0] =	vst v1  }
0x44: {  	[tilespmem:$0x79F0] =	vst v1  }
0x45: {  	[spmem:s5] =	stream.linear.scatter [tilespmem:s14], [sflag:$0x4], $0x280, $0x38;
	[tilespmem:$0x7F00] =	vst v63  }
0x46: {  	_ =	swait.ge [sflag:s15], $0x280  }
0x47: {  	[sflag:s15] =	ssyncset.done $0x0  }
0x48: {  	[sflag:s15] =	ssyncadd.s32 $0xFFFFFD80  }
0x49: {  	[tilespmem:s4], [sflag:$0x4] =	stream.linear.gather [hbm4b:s6+s4], $0x140, $0x38;
	[tilespmem:$0x7F00] =	vst v63  }
0x4a: {  	_ =	swait.ge [sflag:s15], $0x140  }
0x4b: {  	[sflag:s15] =	ssyncset.done $0x0  }
0x4c: {  	[sflag:s15] =	ssyncadd.s32 $0xFFFFFEC0  }
0x4d: {  	[tilespmem:s16], [sflag:$0x4] =	stream.linear.gather [hbm4b:s7+s4], $0x2800, $0x38;
	[tilespmem:$0x7F00] =	vst v63  }
0x4e: {  	_ =	swait.ge [sflag:s15], $0x2800  }
0x4f: {  	[sflag:s15] =	ssyncset.done $0x0  }
0x50: {  	[sflag:s15] =	ssyncadd.s32 $0xFFFFD800  }
0x51: {  	s31 =	simm.s32 $0x200;
	s1 =	simm.s32 $0x180;
	[bflag:$0x0] =	sbarrier.arrive $0xFFFF  }
.LBB2_2:
0x52: {  	[spmem:s3] =	stream.indirect.scatter.add.f32 [tilespmem:s18], [sflag:$0x3], $0x1, s1, s17, $0xb8;
	[tilespmem:$0x7F00] =	vst v63  }
0x53: {  	s1 =	smov.u32 s31;
	p0 =	sne.s32 s31, $0x9E00  }
.Ltmp0:
0x54: {  	s31 =	sadd.s32 $0x200, s31;
	(pc) =	sbr.rel @p0 .LBB2_2-.Ltmp0, $3  }
0x55: {  	_ =	sdelay $0x1  }
0x56: {  	s1 =	sshra.s32 s1, $0x2  }
0x57: {  	s1 =	sadd.s32 $0x180, s1  }
0x58: {  	[spmem:s3] =	stream.indirect.scatter.add.f32 [tilespmem:s18], [sflag:$0x3], $0x1, s1, s17, $0xb8;
	[tilespmem:$0x7F00] =	vst v63  }
0x59: {  	_ = 	snop  }
0x5a: {  	[tilespmem:s20], [sflag:$0x1] =	stream.indirect.gather [hbm4b:s2+s19], $0x80, s4, s19, $0xb8;
	[tilespmem:$0x7F00] =	vst v63  }
0x5b: {  	_ = 	snop  }
0x5c: {  	[tilespmem:s21], [sflag:$0x2] =	stream.indirect.gather [hbm4b:s2+s19], $0x80, s19, s19, $0xb8;
	[tilespmem:$0x7F00] =	vst v63  }
0x5d: {  	_ =	swait.ge [sflag:s22], $0x2800  }
0x5e: {  	[sflag:s22] =	ssyncset.done $0x0  }
0x5f: {  	[sflag:s22] =	ssyncadd.s32 $0xFFFFD800  }
0x60: {  	[hbm4b:s8+s4] =	stream.linear.scatter [tilespmem:s20], [sflag:$0x4], $0x2800, $0x38;
	[tilespmem:$0x7F00] =	vst v63  }
0x61: {  	_ =	swait.ge [sflag:s15], $0x2800  }
0x62: {  	[sflag:s15] =	ssyncset.done $0x0  }
0x63: {  	[sflag:s15] =	ssyncadd.s32 $0xFFFFD800  }
0x64: {  	[tilespmem:s20], [sflag:$0x1] =	stream.indirect.gather [hbm4b:s2+s19], $0x80, s23, s19, $0xb8;
	[tilespmem:$0x7F00] =	vst v63  }
0x65: {  	_ =	swait.ge [sflag:s24], $0x2800  }
0x66: {  	[sflag:s24] =	ssyncset.done $0x0  }
0x67: {  	[sflag:s24] =	ssyncadd.s32 $0xFFFFD800  }
0x68: {  	[hbm4b:s9+s4] =	stream.linear.scatter [tilespmem:s21], [sflag:$0x4], $0x2800, $0x38;
	[tilespmem:$0x7F00] =	vst v63  }
0x69: {  	_ =	swait.ge [sflag:s15], $0x2800  }
0x6a: {  	[sflag:s15] =	ssyncset.done $0x0  }
0x6b: {  	[sflag:s15] =	ssyncadd.s32 $0xFFFFD800  }
0x6c: {  	[tilespmem:s21], [sflag:$0x2] =	stream.indirect.gather [hbm4b:s2+s19], $0x80, s25, s19, $0xb8;
	[tilespmem:$0x7F00] =	vst v63  }
0x6d: {  	_ =	swait.ge [sflag:s22], $0x2800  }
0x6e: {  	[sflag:s22] =	ssyncset.done $0x0  }
0x6f: {  	[sflag:s22] =	ssyncadd.s32 $0xFFFFD800  }
0x70: {  	[hbm4b:s10+s4] =	stream.linear.scatter [tilespmem:s20], [sflag:$0x4], $0x2800, $0x38;
	[tilespmem:$0x7F00] =	vst v63  }
0x71: {  	_ =	swait.ge [sflag:s15], $0x2800  }
0x72: {  	[sflag:s15] =	ssyncset.done $0x0  }
0x73: {  	[sflag:s15] =	ssyncadd.s32 $0xFFFFD800  }
0x74: {  	_ =	swait.ge [sflag:s24], $0x2800  }
0x75: {  	[sflag:s24] =	ssyncset.done $0x0  }
0x76: {  	[sflag:s24] =	ssyncadd.s32 $0xFFFFD800  }
0x77: {  	[hbm4b:s11+s4] =	stream.linear.scatter [tilespmem:s21], [sflag:$0x4], $0x2800, $0x38;
	[tilespmem:$0x7F00] =	vst v63  }
0x78: {  	_ =	swait.ge [sflag:s15], $0x2800  }
0x79: {  	[sflag:s15] =	ssyncset.done $0x0  }
0x7a: {  	[sflag:s15] =	ssyncadd.s32 $0xFFFFD800  }
0x7b: {  	_ =	swait.ge [sflag:s26], $0x2800  }
0x7c: {  	s31 =	sshll.u32 s0, $0x6;
	s30 =	sadd.s32 $0x1, s30;
	[sflag:s26] =	ssyncset.done $0x0  }
0x7d: {  	s1 =	sor.u32 $0x1C04, s31;
	p0 =	sne.s32 s30, s13;
	[sflag:s26] =	ssyncadd.s32 $0xFFFFD800  }
.Ltmp1:
0x7e: {  	s31 =	sshrl.u32 s5, $0x3;
	[bflag:$0x0] =	sbarrier.arrive $0xFFFF;
	(pc) =	sbr.rel @p0 .LBB2_1-.Ltmp1, $4  }
0x7f: {  	[hbm:s12@s28], [sflag:s1] =	dma.strided [spmem:s31@s29], $0x50, s22, $0x10   }
0x80: {  	_ =	swait.ge [sflag:s15], $0x50  }
0x81: {  	[sflag:s15] =	ssyncset.done $0x0  }
0x82: {  	[sflag:s15] =	ssyncadd.s32 $0xFFFFFFB0  }
0x83: {  	_ =	sfence.sel $0x180000  }
0x84: {  	[bflag:$0x0] =	sbarrier.arrive $0xFFFF  }
0x85: {  	_ =	strace $0x90000047  }
0x86: {  	[bflag:$0x2] =	sbarrier.arrive $0xFFFF  }
0x87: {  	p0 =	sne.s32 s0, $0x0;
	s0 =	rddreg [dreg:$0x4]  }
0x88: {  	s0 =	sadd.s32 @!p0 $0x100000, s0  }
0x89: {  	[sflag:s0] =	ssyncadd.tile.s32 @!p0 $0x1;
	_ =	shalt  }
.Lfunc_end2:
_tile_overlayer_lowered:
.L_overlay_start_2:
0x8a: {  	(tag) =	ssettag $0x2  }
0x8b: {  	s0 =	rddreg [dreg:$0x0];
	s2 =	stileid.u32  }
0x8c: {  	s1 =	rddreg [dreg:$0x1];
	p0 =	sne.s32 s2, $0x0  }
0x8d: {  	s3 =	rddreg [dreg:$0x2];
	[bflag:$0x3] =	sbarrier.arrive $0xFFFF;
	s2 =	simm.s32 @!p0 $0x1C04  }
0x8e: {  	[timem:s3], [sflag:s2] =	dma.local @!p0 [hbm:s0], s1  }
0x8f: {  	s0 =	simm.s32 @!p0 $0x4  }
0x90: {  	_ =	swait.ge @!p0 [sflag:s0], s1  }
0x91: {  	s1 =	ssub.s32 @!p0 $0x0, s1;
	[sflag:s0] =	ssyncset.done @!p0 $0x0  }
0x92: {  	[sflag:s0] =	ssyncadd.s32 @!p0 s1  }
0x93: {  	[bflag:$0x3] =	sbarrier.arrive $0xFFFF  }
0x94: {  	_ =	shalt  }

// kernel: kernel.9.cloned.1.call-start
scs
__scs_entry_jumppad:
0x0: {  	(pc) =	sbr.rel $0x88, $3  }
0x1: {  	(tag) =	ssettag $0x0;
	lr =	simm.s32 $0x1  }
0x2: {  	[smem:$0x3F9C] =	sst lr;
	_ =	strace $0xD0000000  }
0x3: {  	_ = 	snop  }
0x4: {  	_ = 	snop  }
0x5: {  	_ = 	snop  }
0x6: {  	_ = 	snop  }
0x7: {  	_ = 	snop  }
__scs_overlays_trampoline_lowered:
0x8: {  	[smem:$0x3FAB] =	sst s0  }
0x9: {  	[smem:$0x3FAC] =	sst s1  }
0xa: {  	[smem:$0x3FAD] =	sst s2  }
0xb: {  	[smem:$0x3FAE] =	sst s3  }
0xc: {  	[smem:$0x3FAF] =	sst s4  }
0xd: {  	[smem:$0x3FB0] =	sst s5  }
0xe: {  	[smem:$0x3FB1] =	sst s6  }
0xf: {  	[smem:$0x3FB2] =	sst s7  }
0x10: {  	[smem:$0x3FB3] =	sst s8  }
0x11: {  	[smem:$0x3FB4] =	sst s9;
	s0 =	simm.s32 @!p0 $0x0  }
0x12: {  	s1 =	sld [smem:$0x3F9A];
	s0 =	simm.s32 @p0 $0x1  }
0x13: {  	[smem:$0x3FB5] =	sst s0;
	s0 =	simm.s32 @!p1 $0x0  }
0x14: {  	s2 =	sld [smem:$0x3F99];
	s0 =	simm.s32 @p1 $0x1  }
0x15: {  	[smem:$0x3FB6] =	sst s0;
	s0 =	simm.s32 @!p2 $0x0  }
0x16: {  	s3 =	sld [smem:$0x3FDB];
	s0 =	simm.s32 @p2 $0x1  }
0x17: {  	s4 =	simm.s32 $0x1BF5;
	[smem:$0x3FB8] =	sst s0  }
0x18: {  	s0 =	sld [smem:$0x3F9B];
	_ =	swait.ge [sflag:s4], $0x0  }
0x19: {  	s7 =	sld [smem:$0x3F9C]  }
0x1a: {  	s8 =	sadd.s32 $0xFFFFE003, lr  }
0x1b: {  	s9 =	sadd.s32 $0xFFFFFEF7, lr;
	s5 =	simm.s32 $0xFFFFFFFF;
	p2 =	slt.u32 s8, $0xFFFFF086  }
0x1c: {  	p1 =	slt.u32 s9, $0xF7A;
	s5 =	simm.s32 @!p2 $0x0  }
0x1d: {  	s5 =	simm.s32 @p1 $0x1;
	p0 =	seq.s32 s7, s2  }
0x1e: {  	s7 =	smul.u32 @!p0 $0xF7A, s2;
	p2 =	seq.s32 @!p0 s5, $0x0  }
0x1f: {  	s9 =	smul.u32 $0xF7A, s1;
	s8 =	simm.s32 @!p0 $0x1BF5;
	p2 =	por !p2, p0  }
0x20: {  	[sflag:s8] =	ssyncset.s32 @!p0 $0xFFFFF086;
	s6 =	sadd.s32 @!p0 s3, s7;
	s7 =	simm.s32 @!p0 $0x108  }
0x21: {  	s3 =	sadd.s32 s3, s9;
	s6 =	sadd.s32 @!p0 $0x88, s6;
	s7 =	simm.s32 @p2 $0x1082  }
0x22: {  	[simem:s7], [sflag:s8] =	dma.local @!p0 [hbm:s6], $0xF7A  }
0x23: {  	s9 =	sor.u32 $0xD0000000, s2;
	s6 =	simm.s32 $0x108;
	_ =	swait.ge @!p0 [sflag:s8], $0x0  }
0x24: {  	s3 =	sadd.s32 $0x88, s3;
	s6 =	simm.s32 @!p1 $0x1082;
	[sflag:s4] =	ssyncset.s32 $0xFFFFF086  }
0x25: {  	[simem:s6], [sflag:s4] =	dma.local [hbm:s3], $0xF7A  }
0x26: {  	[smem:$0x3F9C] =	sst s1;
	(tag) =	ssettag s2;
	_ =	strace s9  }
0x27: {  	s1 =	sld [smem:$0x3FAC]  }
0x28: {  	s2 =	sld [smem:$0x3FAD]  }
0x29: {  	s4 =	sld [smem:$0x3FAF]  }
0x2a: {  	p0 =	seq.s32 s5, $0x0;
	s5 =	sld [smem:$0x3FB0]  }
0x2b: {  	s6 =	sld [smem:$0x3FB1]  }
0x2c: {  	s7 =	sld [smem:$0x3FB2]  }
0x2d: {  	s3 =	simm.s32 $0x108;
	s8 =	sld [smem:$0x3FB3]  }
0x2e: {  	s3 =	simm.s32 @!p0 $0x1082;
	s9 =	sld [smem:$0x3FB4]  }
0x2f: {  	lr =	sadd.s32 s0, s3;
	s0 =	sld [smem:$0x3FAB]  }
0x30: {  	s3 =	sld [smem:$0x3FAE]  }
0x31: {  	[smem:$0x3FB7] =	sst s10  }
0x32: {  	s10 =	sld [smem:$0x3FB5];
	_ =	sdelay $0x3  }
0x33: {  	p0 =	seq.s32 s10, $0x1;
	s10 =	sld [smem:$0x3FB7];
	_ =	sdelay $0x3  }
0x34: {  	[smem:$0x3FB7] =	sst s10  }
0x35: {  	s10 =	sld [smem:$0x3FB6];
	_ =	sdelay $0x3  }
0x36: {  	p1 =	seq.s32 s10, $0x1;
	s10 =	sld [smem:$0x3FB7];
	_ =	sdelay $0x3  }
0x37: {  	[smem:$0x3FB7] =	sst s10  }
0x38: {  	s10 =	sld [smem:$0x3FB8]  }
0x39: {  	_ = 	snop;
	(pc) =	sbr.ind lr, $3  }
0x3a: {  	_ = 	snop  }
0x3b: {  	_ = 	snop  }
0x3c: {  	p2 =	seq.s32 s10, $0x1;
	s10 =	sld [smem:$0x3FB7]  }
0x3d: {  	_ =	shalt  }
0x3e: {  	_ =	shalt  }
0x3f: {  	_ =	shalt  }
0x40: {  	_ =	shalt  }
0x41: {  	_ =	shalt  }
0x42: {  	_ =	shalt  }
0x43: {  	_ =	shalt  }
0x44: {  	_ =	shalt  }
0x45: {  	_ =	shalt  }
0x46: {  	_ =	shalt  }
0x47: {  	_ =	shalt  }
0x48: {  	_ =	shalt  }
0x49: {  	_ =	shalt  }
0x4a: {  	_ =	shalt  }
0x4b: {  	_ =	shalt  }
0x4c: {  	_ =	shalt  }
0x4d: {  	_ =	shalt  }
0x4e: {  	_ =	shalt  }
0x4f: {  	_ =	shalt  }
0x50: {  	_ =	shalt  }
0x51: {  	_ =	shalt  }
0x52: {  	_ =	shalt  }
0x53: {  	_ =	shalt  }
0x54: {  	_ =	shalt  }
0x55: {  	_ =	shalt  }
0x56: {  	_ =	shalt  }
0x57: {  	_ =	shalt  }
0x58: {  	_ =	shalt  }
0x59: {  	_ =	shalt  }
0x5a: {  	_ =	shalt  }
0x5b: {  	_ =	shalt  }
0x5c: {  	_ =	shalt  }
0x5d: {  	_ =	shalt  }
0x5e: {  	_ =	shalt  }
0x5f: {  	_ =	shalt  }
0x60: {  	_ =	shalt  }
0x61: {  	_ =	shalt  }
0x62: {  	_ =	shalt  }
0x63: {  	_ =	shalt  }
0x64: {  	_ =	shalt  }
0x65: {  	_ =	shalt  }
0x66: {  	_ =	shalt  }
0x67: {  	_ =	shalt  }
0x68: {  	_ =	shalt  }
0x69: {  	_ =	shalt  }
0x6a: {  	_ =	shalt  }
0x6b: {  	_ =	shalt  }
0x6c: {  	_ =	shalt  }
0x6d: {  	_ =	shalt  }
0x6e: {  	_ =	shalt  }
0x6f: {  	_ =	shalt  }
0x70: {  	_ =	shalt  }
0x71: {  	_ =	shalt  }
0x72: {  	_ =	shalt  }
0x73: {  	_ =	shalt  }
0x74: {  	_ =	shalt  }
0x75: {  	_ =	shalt  }
0x76: {  	_ =	shalt  }
0x77: {  	_ =	shalt  }
0x78: {  	_ =	shalt  }
0x79: {  	_ =	shalt  }
0x7a: {  	_ =	shalt  }
0x7b: {  	_ =	shalt  }
0x7c: {  	_ =	shalt  }
0x7d: {  	_ =	shalt  }
0x7e: {  	_ =	shalt  }
0x7f: {  	_ =	shalt  }
0x80: {  	_ =	shalt  }
0x81: {  	_ =	shalt  }
0x82: {  	_ =	shalt  }
0x83: {  	_ =	shalt  }
0x84: {  	_ =	shalt  }
0x85: {  	_ =	shalt  }
0x86: {  	_ =	shalt  }
0x87: {  	_ =	shalt  }
.Lfunc_end0:
.L_simem_size_0:
called_computation.1_lowered:
.L_overlay_start_0:
0x88: {  	s2 =	sld [smem:$0x3FD9]  }
0x89: {  	s3 =	sld [smem:$0x3FFE];
	_ =	sdelay $0x1  }
0x8a: {  	s1 =	srdreg.scid  }
0x8b: {  	s0 =	sand.u32 $0x1, s1  }
0x8c: {  	s17 =	sshll.u32 s0, $0xA;
	s2 =	sadd.s32 s3, s2  }
0x8d: {  	s2 =	sadd.s32 s2, s17  }
0x8e: {  	[smem:$0x3FC3] =	sst s2  }
0x8f: {  	_ = 	snop  }
0x90: {  	s2 =	sld [smem:$0x3FD0];
	(tm) =	ssettm $0x1  }
0x91: {  	s18 =	sld [smem:$0x3FFB];
	_ =	sdelay $0x3  }
0x92: {  	_ =	strace s18  }
0x93: {  	s3 =	sld [smem:$0x3FFC];
	_ =	sdelay $0x3  }
0x94: {  	_ =	strace s3  }
0x95: {  	s3 =	sld [smem:$0x3FFD];
	_ =	sdelay $0x3  }
0x96: {  	_ =	strace s3  }
0x97: {  	_ =	strace $0x8FFFFFFF  }
0x98: {  	s19 =	sld [smem:$0x3FDB];
	_ =	sdelay $0x1  }
0x99: {  	s4 =	simm.s32 $_scs_section_size  }
0x9a: {  	s5 =	simm.s32 $_size__tile_overlayer_lowered;
	s6 =	simm.s32 $_tile_overlayer_lowered  }
0x9b: {  	s22 =	simm.s32 $0x1BFF;
	s21 =	sshll.u32 s6, $0x1;
	s3 =	sadd.s32 s4, s19  }
0x9c: {  	s7 =	simm.s32 $0x0;
	s20 =	sshll.u32 s5, $0x1;
	s5 =	sadd.s32 s21, s3  }
0x9d: {  	[timem:s7], [sflag:s22] =	dma.local [hbm:s5], s20  }
0x9e: {  	_ =	swait.ge [sflag:s22], s20  }
0x9f: {  	s4 =	ssub.s32 $0x0, s20;
	[sflag:s22] =	ssyncset.done $0x0  }
0xa0: {  	[sflag:s22] =	ssyncadd.s32 s4;
	_ =	sdelay $0x1  }
0xa1: {  	s23 =	simm.s32 $0x1B8B  }
0xa2: {  	_ =	swait.ge [sflag:s23], $0x1  }
0xa3: {  	[sflag:s23] =	ssyncset.done $0x0  }
0xa4: {  	s25 =	simm.s32 $0x1B8E;
	s24 =	sld [smem:$0x3FFE];
	[sflag:s23] =	ssyncadd.s32 $0xFFFFFFFF  }
0xa5: {  	s26 =	simm.s32 $execute0_lowered;
	[smem:$0x3FD2] =	sst s25  }
0xa6: {  	s5 =	sshll.u32 s26, $0x1;
	_ =	strace $0x80000049;
	[dreg:$0x1] =	wrdreg $0xFFFFFFFF  }
0xa7: {  	s28 =	simm.s32 $_size_execute0_lowered;
	s3 =	sadd.s32 s3, s5;
	[dreg:$0x0] =	wrdreg $0x0  }
0xa8: {  	s5 =	sshll.u32 s28, $0x1;
	[dreg:$0x2] =	wrdreg s3  }
0xa9: {  	[dreg:$0x3] =	wrdreg s5  }
0xaa: {  	[dreg:$0x4] =	wrdreg $0xC0  }
0xab: {  	_ =	task [dreg:s7], $0x5FFFF  }
0xac: {  	[dreg:$0x1] =	wrdreg $0xFFFFFFFF  }
0xad: {  	[dreg:$0x0] =	wrdreg $0x60  }
0xae: {  	[dreg:$0x2] =	wrdreg s24  }
0xaf: {  	[dreg:$0x3] =	wrdreg s2  }
0xb0: {  	[dreg:$0x4] =	wrdreg $0xB9000  }
0xb1: {  	[dreg:$0x5] =	wrdreg $0x9  }
0xb2: {  	_ =	task.clear_ibuf [dreg:s7], $0x6FFFF;
	_ =	strace $0x90000049  }
0xb3: {  	s29 =	simm.s32 $0x9;
	_ =	strace $0x8000004B  }
0xb4: {  	_ =	swait.ge [sflag:s29], $0x1  }
0xb5: {  	[sflag:s29] =	ssyncadd.s32 $0xFFFFFFFF  }
0xb6: {  	_ =	strace $0x9000004B  }
0xb7: {  	_ =	sfence  }
0xb8: {  	s30 =	sld [smem:$0x0];
	_ =	sdelay $0x2  }
0xb9: {  	s31 =	sshll.u32 s1, $0xD;
	s1 =	sshrl.u32 s1, $0x2  }
0xba: {  	s3 =	sand.u32 $0x4000, s31;
	s1 =	sadd.s32 s1, s30  }
0xbb: {  	s0 =	sor.u32 s3, s0;
	s1 =	sshll.u32 s1, $0x11  }
0xbc: {  	s0 =	sor.u32 s1, s0  }
0xbd: {  	s0 =	sadd.s32 $0x8F2B, s0  }
0xbe: {  	[sflag:s0] =	ssyncadd.remote.s32 $0x1  }
0xbf: {  	_ =	sfence.sel $0xFFFF  }
0xc0: {  	[dreg:$0x0] =	wrdreg $0xFFFFFFFF;
	(pc) =	sbr.abs _section_cstart, $3  }
0xc1: {  	[dreg:$0x1] =	wrdreg $0xFFFFFFFF  }
0xc2: {  	_ =	task.clear_ibuf [dreg:s7], $0x2FFFF;
	_ =	strace $0x9FFFFFFF  }
0xc3: {  	(tm) =	ssettm $0x7FFFFFFF  }
tec
execute0_lowered:
.L_overlay_start_1:
0x0: {  	(tag) =	ssettag $0x1  }
0x1: {  	s0 =	rddreg [dreg:$0x0];
	s1 =	srdreg.scid  }
0x2: {  	s12 =	stileid.u32;
	s6 =	rddreg [dreg:$0x1]  }
0x3: {  	s2 =	rddreg [dreg:$0x2];
	s28 =	simm.s32 $0x7900;
	s5 =	smul.u32 $0x50000, s12  }
0x4: {  	s29 =	simm.s32 $0x8900;
	s30 =	simm.s32 $0x9900;
	s26 =	smul.u32 $0x14000, s12  }
0x5: {  	s1 =	sand.u32 $0x1, s1;
	s3 =	sshll.u32 s12, $0x1;
	s12 =	smul.u32 $0x5000, s12  }
0x6: {  	s31 =	simm.s32 $0x1;
	s4 =	sor.u32 s1, s3;
	s24 =	smul.u32 $0x140000, s1  }
0x7: {  	s3 =	simm.s32 $0x0;
	s9 =	ssub.s32 $0x2, s1;
	s1 =	smul.u32 $0x2800, s1  }
0x8: {  	s4 =	smul.u32 $0x2800, s4;
	[smem:$0x7FF] =	sst s3;
	s10 =	sshrl.u32 s9, $0x1  }
0x9: {  	s5 =	sshrl.u32 s5, $0x2;
	s15 =	sadd.s32 $0x4000, s26;
	s18 =	sadd.s32 $0x8000, s26  }
0xa: {  	_ =	strace $0x8000004A;
	s9 =	ssub.s32 s9, s10;
	s5 =	sadd.s32 s5, s2  }
0xb: {  	s14 =	sadd.s32 s24, s26;
	s16 =	sadd.s32 s24, s15;
	s19 =	sadd.s32 s24, s18  }
0xc: {  	s1 =	sadd.s32 s1, s12;
	s7 =	sshrl.u32 s4, $0x3;
	s4 =	sadd.s32 $0x1200, s0  }
0xd: {  	s9 =	smax.u32 s9, $0x1;
	s11 =	sadd.s32 $0x1000, s5;
	s13 =	sadd.s32 $0x2000, s5  }
0xe: {  	s17 =	sshrl.u32 s16, $0x3;
	s22 =	sor.u32 $0x100, s1;
	[dreg:$0x7] =	wrdreg s9  }
0xf: {  	s1 =	sor.u32 $0x180, s1;
	s12 =	sadd.s32 $0x6000, s5;
	[dreg:$0x8] =	wrdreg s11  }
0x10: {  	s16 =	sadd.s32 $0xA000, s5;
	s8 =	sadd.s32 s7, s0;
	[dreg:$0x9] =	wrdreg s13  }
0x11: {  	s0 =	sadd.s32 $0x34200, s0;
	s25 =	sadd.s32 s6, s7;
	[dreg:$0x16] =	wrdreg s12  }
0x12: {  	s11 =	sadd.s32 $0x3000, s5;
	s13 =	sadd.s32 $0xC000, s26;
	[dreg:$0x1a] =	wrdreg s16  }
0x13: {  	s7 =	sadd.s32 $0x10000, s26;
	s23 =	sshrl.u32 s22, $0x3;
	[dreg:$0x5] =	wrdreg s25  }
0x14: {  	s26 =	sadd.s32 $0x5000, s5;
	s22 =	sadd.s32 $0xE000, s5;
	[dreg:$0xa] =	wrdreg s11  }
0x15: {  	s16 =	simm.s32 $0x2800;
	s8 =	sadd.s32 $0x2A200, s8;
	[dreg:$0x11] =	wrdreg s26  }
0x16: {  	s20 =	sadd.s32 s24, s13;
	s10 =	sadd.s32 s24, s7;
	[dreg:$0x1e] =	wrdreg s22  }
0x17: {  	s24 =	sadd.s32 $0x4000, s5;
	s7 =	sadd.s32 s7, s2;
	[dreg:$0x4] =	wrdreg s8  }
0x18: {  	s26 =	sadd.s32 $0x12000, s5;
	s22 =	simm.s32 $0x4900;
	[dreg:$0x10] =	wrdreg s24  }
0x19: {  	s8 =	sadd.s32 $0x10, s25;
	s21 =	sshrl.u32 s10, $0x3;
	[smem:$0x7FD] =	sst s26  }
0x1a: {  	s25 =	sshrl.u32 s1, $0x3;
	s11 =	sshrl.u32 s7, $0x3;
	[dreg:$0x6] =	wrdreg s8  }
0x1b: {  	s1 =	sadd.s32 s15, s2;
	s15 =	sadd.s32 $0x9000, s5;
	[dreg:$0x15] =	wrdreg s11  }
0x1c: {  	s24 =	sadd.s32 $0x10000, s5;
	s7 =	simm.s32 $0xA900;
	[dreg:$0x19] =	wrdreg s15  }
0x1d: {  	s8 =	sshrl.u32 s14, $0x3;
	s14 =	sadd.s32 $0x8000, s5;
	[smem:$0x7FB] =	sst s24  }
0x1e: {  	s26 =	simm.s32 $0x6900;
	s8 =	sadd.s32 s0, s8;
	[dreg:$0x18] =	wrdreg s14  }
0x1f: {  	s15 =	simm.s32 $0x3;
	[dreg:$0xb] =	wrdreg s8;
	s8 =	sadd.s32 s0, s17  }
0x20: {  	s17 =	sadd.s32 $0xB000, s5;
	[dreg:$0xc] =	wrdreg s8;
	s8 =	sshrl.u32 s19, $0x3  }
0x21: {  	s19 =	sadd.s32 s23, s6;
	[dreg:$0x1b] =	wrdreg s17;
	s23 =	sadd.s32 $0xF000, s5  }
0x22: {  	s24 =	simm.s32 $0x2880;
	s8 =	sadd.s32 s0, s8;
	[dreg:$0x1f] =	wrdreg s23  }
0x23: {  	s14 =	simm.s32 $0x5;
	[dreg:$0xd] =	wrdreg s8;
	s8 =	sshrl.u32 s20, $0x3  }
0x24: {  	s20 =	sadd.s32 s25, s6;
	s6 =	sadd.s32 s18, s2;
	s18 =	sadd.s32 $0xC000, s5  }
0x25: {  	s17 =	simm.s32 $0x20;
	s25 =	sadd.s32 $0x11000, s5;
	[dreg:$0x1c] =	wrdreg s18  }
0x26: {  	s23 =	simm.s32 $0x5900;
	s8 =	sadd.s32 s0, s8;
	[smem:$0x7FC] =	sst s25  }
0x27: {  	s0 =	sadd.s32 s0, s21;
	s9 =	sshrl.u32 s6, $0x3;
	[dreg:$0xe] =	wrdreg s8  }
0x28: {  	s21 =	sadd.s32 $0xD000, s5;
	s18 =	simm.s32 $0x2900;
	[dreg:$0xf] =	wrdreg s0  }
0x29: {  	s25 =	simm.s32 $0x80;
	s6 =	simm.s32 $0x0;
	[dreg:$0x13] =	wrdreg s9  }
0x2a: {  	s8 =	sadd.s32 s13, s2;
	s0 =	sshrl.u32 s1, $0x3;
	[dreg:$0x1d] =	wrdreg s21  }
0x2b: {  	s13 =	sadd.s32 $0x7000, s5;
	s21 =	simm.s32 $0x3900;
	[dreg:$0x12] =	wrdreg s0  }
0x2c: {  	s1 =	simm.s32 $0x2;
	s10 =	sshrl.u32 s8, $0x3;
	[dreg:$0x17] =	wrdreg s13  }
0x2d: {  	v0 =	vimm.f32 $0.0e+00;
	s13 =	sadd.s32 $0x13000, s5;
	s0 =	simm.s32 $0x4;
	[dreg:$0x14] =	wrdreg s10  }
.LBB2_1:
0x2e: {  	s8 =	sand.u32 $0x3E00, s3  }
0x2f: {  	s9 =	sand.u32 $0x70, s3;
	s10 =	sshrl.u32 s8, $0x2  }
0x30: {  	s8 =	simm.s32 $0x40;
	s10 =	sor.u32 s9, s10;
	s9 =	simm.s32 $0x0  }
.LBB2_2:
0x31: {  	p0 =	sne.s32 s8, $0x3FC0  }
0x32: {  	[tilespmem:s10+$0xA900] =	vst v0;
	s9 =	sadd.s32 $0x10, s9;
	s10 =	smov.u32 s8;
	s8 =	sadd.s32 $0x40, s8  }
.Ltmp0:
0x33: {  	(pc) =	sbr.rel @p0 .LBB2_2-.Ltmp0, $4  }
0x34: {  	_ = 	snop  }
0x35: {  	s10 =	sand.u32 $0x3E00, s10  }
0x36: {  	s11 =	sand.u32 $0x70, s9;
	s10 =	sshrl.u32 s10, $0x2  }
0x37: {  	s10 =	sor.u32 s11, s10  }
0x38: {  	[tilespmem:s10+$0xA900] =	vst v0;
	s8 =	rddreg [dreg:$0x8]  }
0x39: {  	[spmem:s5] =	stream.linear.scatter [tilespmem:s7], [sflag:$0x3], $0x1000, $0x38;
	[tilespmem:$0x1F900] =	vst v63  }
0x3a: {  	s9 =	rddreg [dreg:$0x9]  }
0x3b: {  	[spmem:s8] =	stream.linear.scatter [tilespmem:s7], [sflag:$0x3], $0x1000, $0x38;
	[tilespmem:$0x1F900] =	vst v63  }
0x3c: {  	s10 =	rddreg [dreg:$0xa]  }
0x3d: {  	[spmem:s9] =	stream.linear.scatter [tilespmem:s7], [sflag:$0x3], $0x1000, $0x38;
	[tilespmem:$0x1F900] =	vst v63  }
0x3e: {  	s11 =	rddreg [dreg:$0x10]  }
0x3f: {  	[spmem:s10] =	stream.linear.scatter [tilespmem:s7], [sflag:$0x3], $0x1000, $0x38;
	[tilespmem:$0x1F900] =	vst v63  }
0x40: {  	s12 =	rddreg [dreg:$0x11]  }
0x41: {  	[spmem:s11] =	stream.linear.scatter [tilespmem:s7], [sflag:$0x3], $0x1000, $0x38;
	[tilespmem:$0x1F900] =	vst v63  }
0x42: {  	s9 =	rddreg [dreg:$0x16]  }
0x43: {  	[spmem:s12] =	stream.linear.scatter [tilespmem:s7], [sflag:$0x3], $0x1000, $0x38;
	[tilespmem:$0x1F900] =	vst v63  }
0x44: {  	s10 =	rddreg [dreg:$0x17]  }
0x45: {  	[spmem:s9] =	stream.linear.scatter [tilespmem:s7], [sflag:$0x3], $0x1000, $0x38;
	[tilespmem:$0x1F900] =	vst v63  }
0x46: {  	s11 =	rddreg [dreg:$0x18]  }
0x47: {  	[spmem:s10] =	stream.linear.scatter [tilespmem:s7], [sflag:$0x3], $0x1000, $0x38;
	[tilespmem:$0x1F900] =	vst v63  }
0x48: {  	s12 =	rddreg [dreg:$0x19]  }
0x49: {  	[spmem:s11] =	stream.linear.scatter [tilespmem:s7], [sflag:$0x3], $0x1000, $0x38;
	[tilespmem:$0x1F900] =	vst v63  }
0x4a: {  	s9 =	rddreg [dreg:$0x1a]  }
0x4b: {  	[spmem:s12] =	stream.linear.scatter [tilespmem:s7], [sflag:$0x3], $0x1000, $0x38;
	[tilespmem:$0x1F900] =	vst v63  }
0x4c: {  	s10 =	rddreg [dreg:$0x1b]  }
0x4d: {  	[spmem:s9] =	stream.linear.scatter [tilespmem:s7], [sflag:$0x3], $0x1000, $0x38;
	[tilespmem:$0x1F900] =	vst v63  }
0x4e: {  	s11 =	rddreg [dreg:$0x1c]  }
0x4f: {  	[spmem:s10] =	stream.linear.scatter [tilespmem:s7], [sflag:$0x3], $0x1000, $0x38;
	[tilespmem:$0x1F900] =	vst v63  }
0x50: {  	s12 =	rddreg [dreg:$0x1d]  }
0x51: {  	[spmem:s11] =	stream.linear.scatter [tilespmem:s7], [sflag:$0x3], $0x1000, $0x38;
	[tilespmem:$0x1F900] =	vst v63  }
0x52: {  	s9 =	rddreg [dreg:$0x1e]  }
0x53: {  	[spmem:s12] =	stream.linear.scatter [tilespmem:s7], [sflag:$0x3], $0x1000, $0x38;
	[tilespmem:$0x1F900] =	vst v63  }
0x54: {  	s10 =	rddreg [dreg:$0x1f]  }
0x55: {  	[spmem:s9] =	stream.linear.scatter [tilespmem:s7], [sflag:$0x3], $0x1000, $0x38;
	[tilespmem:$0x1F900] =	vst v63  }
0x56: {  	s11 =	sld [smem:$0x7FB]  }
0x57: {  	[spmem:s10] =	stream.linear.scatter [tilespmem:s7], [sflag:$0x3], $0x1000, $0x38;
	[tilespmem:$0x1F900] =	vst v63  }
0x58: {  	s12 =	sld [smem:$0x7FC]  }
0x59: {  	[spmem:s11] =	stream.linear.scatter [tilespmem:s7], [sflag:$0x3], $0x1000, $0x38;
	[tilespmem:$0x1F900] =	vst v63  }
0x5a: {  	s9 =	sld [smem:$0x7FD]  }
0x5b: {  	[spmem:s12] =	stream.linear.scatter [tilespmem:s7], [sflag:$0x3], $0x1000, $0x38;
	[tilespmem:$0x1F900] =	vst v63  }
0x5c: {  	_ = 	snop  }
0x5d: {  	[spmem:s9] =	stream.linear.scatter [tilespmem:s7], [sflag:$0x3], $0x1000, $0x38;
	[tilespmem:$0x1F900] =	vst v63  }
0x5e: {  	_ = 	snop  }
0x5f: {  	[spmem:s13] =	stream.linear.scatter [tilespmem:s7], [sflag:$0x3], $0x1000, $0x38;
	[tilespmem:$0x1F900] =	vst v63  }
0x60: {  	s8 =	simm.s32 $0x0;
	s9 =	rddreg [dreg:$0x4]  }
0x61: {  	[tilespmem:s8], [sflag:$0x5] =	stream.linear.gather [hbm4b:s9+s8], $0x2800, $0x38;
	[tilespmem:$0x1F900] =	vst v63  }
0x62: {  	_ =	swait.ge [sflag:s14], $0x2800  }
0x63: {  	[sflag:s14] =	ssyncset.done $0x0  }
0x64: {  	[sflag:s14] =	ssyncadd.s32 $0xFFFFD800  }
0x65: {  	_ =	swait.ge [sflag:s15], $0x1000  }
0x66: {  	[sflag:s15] =	ssyncset.done $0x0  }
0x67: {  	[sflag:s15] =	ssyncadd.s32 $0xFFFFF000  }
0x68: {  	_ =	swait.ge [sflag:s15], $0x1000  }
0x69: {  	[sflag:s15] =	ssyncset.done $0x0  }
0x6a: {  	[sflag:s15] =	ssyncadd.s32 $0xFFFFF000  }
0x6b: {  	_ =	swait.ge [sflag:s15], $0x1000  }
0x6c: {  	[sflag:s15] =	ssyncset.done $0x0  }
0x6d: {  	[sflag:s15] =	ssyncadd.s32 $0xFFFFF000  }
0x6e: {  	_ =	swait.ge [sflag:s15], $0x1000  }
0x6f: {  	[sflag:s15] =	ssyncset.done $0x0  }
0x70: {  	[sflag:s15] =	ssyncadd.s32 $0xFFFFF000  }
0x71: {  	_ =	swait.ge [sflag:s15], $0x1000  }
0x72: {  	[sflag:s15] =	ssyncset.done $0x0  }
0x73: {  	[sflag:s15] =	ssyncadd.s32 $0xFFFFF000  }
0x74: {  	_ =	swait.ge [sflag:s15], $0x1000  }
0x75: {  	[sflag:s15] =	ssyncset.done $0x0  }
0x76: {  	[sflag:s15] =	ssyncadd.s32 $0xFFFFF000  }
0x77: {  	_ =	swait.ge [sflag:s15], $0x1000  }
0x78: {  	[sflag:s15] =	ssyncset.done $0x0  }
0x79: {  	[sflag:s15] =	ssyncadd.s32 $0xFFFFF000  }
0x7a: {  	_ =	swait.ge [sflag:s15], $0x1000  }
0x7b: {  	[sflag:s15] =	ssyncset.done $0x0  }
0x7c: {  	[sflag:s15] =	ssyncadd.s32 $0xFFFFF000  }
0x7d: {  	_ =	swait.ge [sflag:s15], $0x1000  }
0x7e: {  	[sflag:s15] =	ssyncset.done $0x0  }
0x7f: {  	[sflag:s15] =	ssyncadd.s32 $0xFFFFF000  }
0x80: {  	_ =	swait.ge [sflag:s15], $0x1000  }
0x81: {  	[sflag:s15] =	ssyncset.done $0x0  }
0x82: {  	[sflag:s15] =	ssyncadd.s32 $0xFFFFF000  }
0x83: {  	_ =	swait.ge [sflag:s15], $0x1000  }
0x84: {  	[sflag:s15] =	ssyncset.done $0x0  }
0x85: {  	[sflag:s15] =	ssyncadd.s32 $0xFFFFF000  }
0x86: {  	_ =	swait.ge [sflag:s15], $0x1000  }
0x87: {  	[sflag:s15] =	ssyncset.done $0x0  }
0x88: {  	[sflag:s15] =	ssyncadd.s32 $0xFFFFF000  }
0x89: {  	_ =	swait.ge [sflag:s15], $0x1000  }
0x8a: {  	[sflag:s15] =	ssyncset.done $0x0  }
0x8b: {  	[sflag:s15] =	ssyncadd.s32 $0xFFFFF000  }
0x8c: {  	_ =	swait.ge [sflag:s15], $0x1000  }
0x8d: {  	[sflag:s15] =	ssyncset.done $0x0  }
0x8e: {  	[sflag:s15] =	ssyncadd.s32 $0xFFFFF000  }
0x8f: {  	_ =	swait.ge [sflag:s15], $0x1000  }
0x90: {  	[sflag:s15] =	ssyncset.done $0x0  }
0x91: {  	[sflag:s15] =	ssyncadd.s32 $0xFFFFF000  }
0x92: {  	_ =	swait.ge [sflag:s15], $0x1000  }
0x93: {  	[sflag:s15] =	ssyncset.done $0x0  }
0x94: {  	[sflag:s15] =	ssyncadd.s32 $0xFFFFF000  }
0x95: {  	_ =	swait.ge [sflag:s15], $0x1000  }
0x96: {  	[sflag:s15] =	ssyncset.done $0x0  }
0x97: {  	[sflag:s15] =	ssyncadd.s32 $0xFFFFF000  }
0x98: {  	_ =	swait.ge [sflag:s15], $0x1000  }
0x99: {  	[sflag:s15] =	ssyncset.done $0x0  }
0x9a: {  	[sflag:s15] =	ssyncadd.s32 $0xFFFFF000  }
0x9b: {  	_ =	swait.ge [sflag:s15], $0x1000  }
0x9c: {  	[sflag:s15] =	ssyncset.done $0x0  }
0x9d: {  	[sflag:s15] =	ssyncadd.s32 $0xFFFFF000  }
0x9e: {  	_ =	swait.ge [sflag:s15], $0x1000  }
0x9f: {  	[sflag:s15] =	ssyncset.done $0x0  }
0xa0: {  	[sflag:s15] =	ssyncadd.s32 $0xFFFFF000  }
0xa1: {  	[bflag:$0x0] =	sbarrier.arrive $0xFFFF  }
0xa2: {  	s10 =	rddreg [dreg:$0x5]  }
0xa3: {  	[tilespmem:s16], [sflag:$0x3] =	stream.linear.gather [hbm4b:s10+s8], $0x80, $0x38;
	[tilespmem:$0x1F900] =	vst v63  }
0xa4: {  	_ = 	snop  }
0xa5: {  	[tilespmem:s18], [sflag:$0x1] =	stream.indirect.gather [hbm4b:s4+s17], $0x80, s8, s17, $0xb8;
	[tilespmem:$0x1F900] =	vst v63  }
0xa6: {  	_ = 	snop  }
0xa7: {  	[tilespmem:s21], [sflag:$0x1] =	stream.indirect.gather [hbm4b:s4+s17], $0x80, s17, s17, $0xb8;
	[tilespmem:$0x1F900] =	vst v63  }
0xa8: {  	s11 =	simm.s32 $0x40  }
0xa9: {  	[tilespmem:s22], [sflag:$0x1] =	stream.indirect.gather [hbm4b:s4+s17], $0x80, s11, s17, $0xb8;
	[tilespmem:$0x1F900] =	vst v63  }
0xaa: {  	s12 =	simm.s32 $0x60  }
0xab: {  	[tilespmem:s23], [sflag:$0x1] =	stream.indirect.gather [hbm4b:s4+s17], $0x80, s12, s17, $0xb8;
	[tilespmem:$0x1F900] =	vst v63  }
0xac: {  	s10 =	rddreg [dreg:$0x6]  }
0xad: {  	[tilespmem:s24], [sflag:$0x4] =	stream.linear.gather [hbm4b:s10+s8], $0x80, $0x38;
	[tilespmem:$0x1F900] =	vst v63  }
0xae: {  	_ = 	snop  }
0xaf: {  	[tilespmem:s26], [sflag:$0x2] =	stream.indirect.gather [hbm4b:s4+s17], $0x80, s25, s17, $0xb8;
	[tilespmem:$0x1F900] =	vst v63  }
0xb0: {  	s11 =	simm.s32 $0xA0  }
0xb1: {  	[tilespmem:s28], [sflag:$0x2] =	stream.indirect.gather [hbm4b:s4+s17], $0x80, s11, s17, $0xb8;
	[tilespmem:$0x1F900] =	vst v63  }
0xb2: {  	s12 =	simm.s32 $0xC0  }
0xb3: {  	[tilespmem:s29], [sflag:$0x2] =	stream.indirect.gather [hbm4b:s4+s17], $0x80, s12, s17, $0xb8;
	[tilespmem:$0x1F900] =	vst v63  }
0xb4: {  	s9 =	simm.s32 $0xE0  }
0xb5: {  	[tilespmem:s30], [sflag:$0x2] =	stream.indirect.gather [hbm4b:s4+s17], $0x80, s9, s17, $0xb8;
	[tilespmem:$0x1F900] =	vst v63  }
0xb6: {  	_ =	swait.ge [sflag:s31], $0x4000  }
0xb7: {  	[sflag:s31] =	ssyncset.done $0x0  }
0xb8: {  	[sflag:s31] =	ssyncadd.s32 $0xFFFFC000  }
0xb9: {  	_ =	swait.ge [sflag:s15], $0x80  }
0xba: {  	[sflag:s15] =	ssyncset.done $0x0  }
0xbb: {  	[sflag:s15] =	ssyncadd.s32 $0xFFFFFF80  }
0xbc: {  	[spmem:s2] =	stream.indirect.scatter.add.f32 [tilespmem:s18], [sflag:$0x5], $0x80, s16, s25, $0xb8;
	[tilespmem:$0x1F900] =	vst v63  }
0xbd: {  	_ =	swait.ge [sflag:s14], $0x4000  }
0xbe: {  	[sflag:s14] =	ssyncset.done $0x0  }
0xbf: {  	[sflag:s14] =	ssyncadd.s32 $0xFFFFC000  }
0xc0: {  	[tilespmem:s16], [sflag:$0x3] =	stream.linear.gather [hbm4b:s19+s3], $0x80, $0x38;
	[tilespmem:$0x1F900] =	vst v63  }
0xc1: {  	s10 =	simm.s32 $0x100  }
0xc2: {  	[tilespmem:s18], [sflag:$0x1] =	stream.indirect.gather [hbm4b:s4+s17], $0x80, s10, s17, $0xb8;
	[tilespmem:$0x1F900] =	vst v63  }
0xc3: {  	s11 =	simm.s32 $0x120  }
0xc4: {  	[tilespmem:s21], [sflag:$0x1] =	stream.indirect.gather [hbm4b:s4+s17], $0x80, s11, s17, $0xb8;
	[tilespmem:$0x1F900] =	vst v63  }
0xc5: {  	s12 =	simm.s32 $0x140  }
0xc6: {  	[tilespmem:s22], [sflag:$0x1] =	stream.indirect.gather [hbm4b:s4+s17], $0x80, s12, s17, $0xb8;
	[tilespmem:$0x1F900] =	vst v63  }
0xc7: {  	s9 =	simm.s32 $0x160  }
0xc8: {  	[tilespmem:s23], [sflag:$0x1] =	stream.indirect.gather [hbm4b:s4+s17], $0x80, s9, s17, $0xb8;
	[tilespmem:$0x1F900] =	vst v63  }
0xc9: {  	_ =	swait.ge [sflag:s1], $0x4000  }
0xca: {  	[sflag:s1] =	ssyncset.done $0x0  }
0xcb: {  	[sflag:s1] =	ssyncadd.s32 $0xFFFFC000  }
0xcc: {  	_ =	swait.ge [sflag:s0], $0x80  }
0xcd: {  	[sflag:s0] =	ssyncset.done $0x0  }
0xce: {  	[sflag:s0] =	ssyncadd.s32 $0xFFFFFF80  }
0xcf: {  	[spmem:s2] =	stream.indirect.scatter.add.f32 [tilespmem:s26], [sflag:$0x5], $0x80, s24, s25, $0xb8;
	[tilespmem:$0x1F900] =	vst v63  }
0xd0: {  	_ =	swait.ge [sflag:s14], $0x4000  }
0xd1: {  	[sflag:s14] =	ssyncset.done $0x0  }
0xd2: {  	[sflag:s14] =	ssyncadd.s32 $0xFFFFC000  }
0xd3: {  	[tilespmem:s24], [sflag:$0x4] =	stream.linear.gather [hbm4b:s20+s3], $0x80, $0x38;
	[tilespmem:$0x1F900] =	vst v63  }
0xd4: {  	s10 =	simm.s32 $0x180  }
0xd5: {  	[tilespmem:s26], [sflag:$0x2] =	stream.indirect.gather [hbm4b:s4+s17], $0x80, s10, s17, $0xb8;
	[tilespmem:$0x1F900] =	vst v63  }
0xd6: {  	s8 =	simm.s32 $0x400;
	s11 =	simm.s32 $0x1A0;
	s12 =	simm.s32 $0x1C0  }
0xd7: {  	[tilespmem:s28], [sflag:$0x2] =	stream.indirect.gather [hbm4b:s4+s17], $0x80, s11, s17, $0xb8;
	[tilespmem:$0x1F900] =	vst v63  }
0xd8: {  	s9 =	sadd.s32 $0x20, s19;
	s10 =	sadd.s32 $0x20, s20;
	s11 =	simm.s32 $0x1E0  }
0xd9: {  	[tilespmem:s29], [sflag:$0x2] =	stream.indirect.gather [hbm4b:s4+s17], $0x80, s12, s17, $0xb8;
	[tilespmem:$0x1F900] =	vst v63  }
.LBB2_4:
0xda: {  	[tilespmem:s30], [sflag:$0x2] =	stream.indirect.gather [hbm4b:s4+s17], $0x80, s11, s17, $0xb8;
	[tilespmem:$0x1F900] =	vst v63  }
0xdb: {  	s11 =	smov.u32 s8  }
0xdc: {  	p0 =	sne.s32 s8, $0x9800;
	s8 =	sadd.s32 $0x400, s8;
	_ =	swait.ge [sflag:s31], $0x4000  }
0xdd: {  	[sflag:s31] =	ssyncset.done $0x0  }
0xde: {  	[sflag:s31] =	ssyncadd.s32 $0xFFFFC000  }
0xdf: {  	_ =	swait.ge [sflag:s15], $0x80  }
0xe0: {  	[sflag:s15] =	ssyncset.done $0x0  }
0xe1: {  	[sflag:s15] =	ssyncadd.s32 $0xFFFFFF80  }
0xe2: {  	[spmem:s2] =	stream.indirect.scatter.add.f32 [tilespmem:s18], [sflag:$0x5], $0x80, s16, s25, $0xb8;
	[tilespmem:$0x1F900] =	vst v63  }
0xe3: {  	_ =	swait.ge [sflag:s14], $0x4000  }
0xe4: {  	[sflag:s14] =	ssyncset.done $0x0  }
0xe5: {  	s11 =	sshra.s32 s11, $0x2;
	[sflag:s14] =	ssyncadd.s32 $0xFFFFC000  }
0xe6: {  	[tilespmem:s16], [sflag:$0x3] =	stream.linear.gather [hbm4b:s9+s3], $0x80, $0x38;
	[tilespmem:$0x1F900] =	vst v63  }
0xe7: {  	s12 =	sadd.s32 $0x100, s11  }
0xe8: {  	[tilespmem:s18], [sflag:$0x1] =	stream.indirect.gather [hbm4b:s4+s17], $0x80, s12, s17, $0xb8;
	[tilespmem:$0x1F900] =	vst v63  }
0xe9: {  	s12 =	sadd.s32 $0x120, s11  }
0xea: {  	[tilespmem:s21], [sflag:$0x1] =	stream.indirect.gather [hbm4b:s4+s17], $0x80, s12, s17, $0xb8;
	[tilespmem:$0x1F900] =	vst v63  }
0xeb: {  	s12 =	sadd.s32 $0x140, s11  }
0xec: {  	[tilespmem:s22], [sflag:$0x1] =	stream.indirect.gather [hbm4b:s4+s17], $0x80, s12, s17, $0xb8;
	[tilespmem:$0x1F900] =	vst v63  }
0xed: {  	s12 =	sadd.s32 $0x160, s11  }
0xee: {  	[tilespmem:s23], [sflag:$0x1] =	stream.indirect.gather [hbm4b:s4+s17], $0x80, s12, s17, $0xb8;
	[tilespmem:$0x1F900] =	vst v63  }
0xef: {  	_ =	swait.ge [sflag:s1], $0x4000  }
0xf0: {  	[sflag:s1] =	ssyncset.done $0x0  }
0xf1: {  	[sflag:s1] =	ssyncadd.s32 $0xFFFFC000  }
0xf2: {  	_ =	swait.ge [sflag:s0], $0x80  }
0xf3: {  	[sflag:s0] =	ssyncset.done $0x0  }
0xf4: {  	[sflag:s0] =	ssyncadd.s32 $0xFFFFFF80  }
0xf5: {  	[spmem:s2] =	stream.indirect.scatter.add.f32 [tilespmem:s26], [sflag:$0x5], $0x80, s24, s25, $0xb8;
	[tilespmem:$0x1F900] =	vst v63  }
0xf6: {  	_ =	swait.ge [sflag:s14], $0x4000  }
0xf7: {  	[sflag:s14] =	ssyncset.done $0x0  }
0xf8: {  	[sflag:s14] =	ssyncadd.s32 $0xFFFFC000  }
0xf9: {  	[tilespmem:s24], [sflag:$0x4] =	stream.linear.gather [hbm4b:s10+s3], $0x80, $0x38;
	[tilespmem:$0x1F900] =	vst v63  }
0xfa: {  	s12 =	sadd.s32 $0x180, s11  }
0xfb: {  	[tilespmem:s26], [sflag:$0x2] =	stream.indirect.gather [hbm4b:s4+s17], $0x80, s12, s17, $0xb8;
	[tilespmem:$0x1F900] =	vst v63  }
.Ltmp1:
0xfc: {  	s12 =	sadd.s32 $0x1A0, s11;
	(pc) =	sbr.rel @p0 .LBB2_4-.Ltmp1, $4  }
0xfd: {  	[tilespmem:s28], [sflag:$0x2] =	stream.indirect.gather [hbm4b:s4+s17], $0x80, s12, s17, $0xb8;
	[tilespmem:$0x1F900] =	vst v63  }
0xfe: {  	s12 =	sadd.s32 $0x1C0, s11  }
0xff: {  	[tilespmem:s29], [sflag:$0x2] =	stream.indirect.gather [hbm4b:s4+s17], $0x80, s12, s17, $0xb8;
	[tilespmem:$0x1F900] =	vst v63  }
0x100: {  	s9 =	sadd.s32 $0x20, s9;
	s10 =	sadd.s32 $0x20, s10;
	s11 =	sadd.s32 $0x1E0, s11  }
0x101: {  	[tilespmem:s30], [sflag:$0x2] =	stream.indirect.gather [hbm4b:s4+s17], $0x80, s11, s17, $0xb8;
	[tilespmem:$0x1F900] =	vst v63  }
0x102: {  	_ =	swait.ge [sflag:s31], $0x4000  }
0x103: {  	[sflag:s31] =	ssyncset.done $0x0  }
0x104: {  	[sflag:s31] =	ssyncadd.s32 $0xFFFFC000  }
0x105: {  	_ =	swait.ge [sflag:s15], $0x80  }
0x106: {  	[sflag:s15] =	ssyncset.done $0x0  }
0x107: {  	[sflag:s15] =	ssyncadd.s32 $0xFFFFFF80  }
0x108: {  	[spmem:s2] =	stream.indirect.scatter.add.f32 [tilespmem:s18], [sflag:$0x5], $0x80, s16, s25, $0xb8;
	[tilespmem:$0x1F900] =	vst v63  }
0x109: {  	_ =	swait.ge [sflag:s14], $0x4000  }
0x10a: {  	[sflag:s14] =	ssyncset.done $0x0  }
0x10b: {  	[sflag:s14] =	ssyncadd.s32 $0xFFFFC000  }
0x10c: {  	_ =	swait.ge [sflag:s1], $0x4000  }
0x10d: {  	[sflag:s1] =	ssyncset.done $0x0  }
0x10e: {  	[sflag:s1] =	ssyncadd.s32 $0xFFFFC000  }
0x10f: {  	_ =	swait.ge [sflag:s0], $0x80  }
0x110: {  	[sflag:s0] =	ssyncset.done $0x0  }
0x111: {  	[sflag:s0] =	ssyncadd.s32 $0xFFFFFF80  }
0x112: {  	[spmem:s2] =	stream.indirect.scatter.add.f32 [tilespmem:s26], [sflag:$0x5], $0x80, s24, s25, $0xb8;
	[tilespmem:$0x1F900] =	vst v63  }
0x113: {  	_ =	swait.ge [sflag:s14], $0x4000  }
0x114: {  	[sflag:s14] =	ssyncset.done $0x0  }
0x115: {  	s8 =	stileid.u32;
	[sflag:s14] =	ssyncadd.s32 $0xFFFFC000  }
0x116: {  	s8 =	sshll.u32 s8, $0x6;
	[bflag:$0x0] =	sbarrier.arrive $0xFFFF  }
0x117: {  	s9 =	sshrl.u32 s5, $0x3;
	s8 =	sor.u32 $0x1C03, s8;
	s10 =	rddreg [dreg:$0xb]  }
0x118: {  	[hbm:s10], [sflag:s8] =	dma.local [spmem:s9], $0x800  }
0x119: {  	s9 =	rddreg [dreg:$0xc]  }
0x11a: {  	s10 =	rddreg [dreg:$0x12]  }
0x11b: {  	[hbm:s9], [sflag:s8] =	dma.local [spmem:s10], $0x800  }
0x11c: {  	s9 =	rddreg [dreg:$0xd]  }
0x11d: {  	s10 =	rddreg [dreg:$0x13]  }
0x11e: {  	[hbm:s9], [sflag:s8] =	dma.local [spmem:s10], $0x800  }
0x11f: {  	s9 =	rddreg [dreg:$0xe]  }
0x120: {  	s10 =	rddreg [dreg:$0x14]  }
0x121: {  	[hbm:s9], [sflag:s8] =	dma.local [spmem:s10], $0x800  }
0x122: {  	s9 =	rddreg [dreg:$0xf]  }
0x123: {  	s10 =	rddreg [dreg:$0x15]  }
0x124: {  	[hbm:s9], [sflag:s8] =	dma.local [spmem:s10], $0x800  }
0x125: {  	_ =	swait.ge [sflag:s15], $0x800  }
0x126: {  	[sflag:s15] =	ssyncset.done $0x0  }
0x127: {  	[sflag:s15] =	ssyncadd.s32 $0xFFFFF800  }
0x128: {  	_ =	swait.ge [sflag:s15], $0x800  }
0x129: {  	[sflag:s15] =	ssyncset.done $0x0  }
0x12a: {  	[sflag:s15] =	ssyncadd.s32 $0xFFFFF800  }
0x12b: {  	_ =	swait.ge [sflag:s15], $0x800  }
0x12c: {  	[sflag:s15] =	ssyncset.done $0x0  }
0x12d: {  	[sflag:s15] =	ssyncadd.s32 $0xFFFFF800  }
0x12e: {  	_ =	swait.ge [sflag:s15], $0x800  }
0x12f: {  	[sflag:s15] =	ssyncset.done $0x0  }
0x130: {  	[sflag:s15] =	ssyncadd.s32 $0xFFFFF800  }
0x131: {  	_ =	swait.ge [sflag:s15], $0x800  }
0x132: {  	s6 =	sadd.s32 $0x1, s6;
	s12 =	rddreg [dreg:$0x7]  }
0x133: {  	p0 =	sne.s32 s6, s12  }
.Ltmp2:
0x134: {  	_ = 	snop;
	(pc) =	sbr.rel @p0 .LBB2_1-.Ltmp2, $3  }
0x135: {  	_ =	sdelay $0x1  }
0x136: {  	[sflag:s15] =	ssyncset.done $0x0  }
0x137: {  	[sflag:s15] =	ssyncadd.s32 $0xFFFFF800  }
0x138: {  	_ =	sfence.sel $0x180000  }
0x139: {  	[bflag:$0x0] =	sbarrier.arrive $0xFFFF  }
0x13a: {  	_ =	strace $0x9000004A  }
0x13b: {  	s0 =	stileid.u32;
	[bflag:$0x2] =	sbarrier.arrive $0xFFFF  }
0x13c: {  	p0 =	sne.s32 s0, $0x0;
	s0 =	rddreg [dreg:$0x3]  }
0x13d: {  	s0 =	sadd.s32 @!p0 $0x100000, s0  }
0x13e: {  	[sflag:s0] =	ssyncadd.tile.s32 @!p0 $0x1;
	_ =	shalt  }
.Lfunc_end2:
_tile_overlayer_lowered:
.L_overlay_start_2:
0x13f: {  	(tag) =	ssettag $0x2  }
0x140: {  	s0 =	rddreg [dreg:$0x0];
	s2 =	stileid.u32  }
0x141: {  	s1 =	rddreg [dreg:$0x1];
	p0 =	sne.s32 s2, $0x0  }
0x142: {  	s3 =	rddreg [dreg:$0x2];
	[bflag:$0x3] =	sbarrier.arrive $0xFFFF;
	s2 =	simm.s32 @!p0 $0x1C05  }
0x143: {  	[timem:s3], [sflag:s2] =	dma.local @!p0 [hbm:s0], s1  }
0x144: {  	s0 =	simm.s32 @!p0 $0x5  }
0x145: {  	_ =	swait.ge @!p0 [sflag:s0], s1  }
0x146: {  	s1 =	ssub.s32 @!p0 $0x0, s1;
	[sflag:s0] =	ssyncset.done @!p0 $0x0  }
0x147: {  	[sflag:s0] =	ssyncadd.s32 @!p0 s1  }
0x148: {  	[bflag:$0x3] =	sbarrier.arrive $0xFFFF  }
0x149: {  	_ =	shalt  }

</sc_bundles>
